<compile_context>
chip_gen: v7x
topology: tpu7x:2x2x1
jax: 0.10.2.dev20260603
libtpu: 0.0.44.dev20260713+nightly
codegen_flags: <defaults>
</compile_context>

<pallas_src>
import functools

import jax
import jax.numpy as jnp
from jax import lax
from jax.experimental import pallas as pl
from jax.experimental.pallas import tpu as pltpu
from jax.experimental.pallas import tpu_sc as plsc

_C, _T, _BR, _S, _SYN = 64, 16, 8, 16, 32
_NPREV = 8192
_ZSLOT = _NPREV
_TBL = _NPREV + 16
_NPAIR = _T * _BR

_info = plsc.get_sparse_core_info()
_NC = _info.num_cores
_NW = _NC * _info.num_subcores
_L = 16
_PPW = _NPAIR // _NW
_CG = _C // _L

_EMASK = 0x0F0F0F0F
_SEGBIAS = 0x78787878
_BRBIAS = 0x7C7C7C7C
_ONES = 0x01010101


def _sc_body(tbl_hbm, idx_hbm, oe_hbm, oo_hbm,
             tbl_v, seg_v, acc_v, oe_v, oo_v, sem_t, sem_a, sem_b):
    wid = lax.axis_index("s") * _NC + lax.axis_index("c")
    pair0 = wid * _PPW
    ct = pltpu.async_copy(tbl_hbm, tbl_v.at[pl.ds(0, _NPREV)], sem_t)
    sems = (sem_a, sem_b)

    _HS = _S // 2

    def half_src(p, half):
        flat = pair0 + p
        t = flat // _BR
        br = flat % _BR
        return idx_hbm.at[t, br, pl.ds(half * _HS, _HS)]

    pltpu.async_copy(half_src(0, 0), seg_v.at[0], sem_a)
    pltpu.async_copy(half_src(0, 1), seg_v.at[1], sem_b)
    ct.wait()

    zero = jnp.zeros((_L,), jnp.int32)
    big = jnp.full((_L,), _ZSLOT, jnp.uint32)
    tbl_v[pl.ds(_NPREV, _L)] = zero

    def pair_body(p, carry):
        for half in (0, 1):
            sem = sems[half]
            pltpu.make_async_copy(
                half_src(p, half), seg_v.at[half], sem).wait()

            def cg_body(cg, _, half=half):
                if half == 0:
                    br_e = zero
                    br_o = zero
                else:
                    br_e = acc_v[0, pl.ds(cg * _L, _L)]
                    br_o = acc_v[1, pl.ds(cg * _L, _L)]

                def seg_loop(s, c, half=half, cg=cg):
                    br_e, br_o = c
                    seg_e = zero
                    seg_o = zero
                    for k in range(4):
                        part = zero
                        for j in range(8):
                            raw = seg_v[half, s, k * 8 + j,
                                        pl.ds(cg * _L, _L)]
                            safe = plsc.bitcast(
                                jnp.minimum(
                                    plsc.bitcast(raw, jnp.uint32), big),
                                jnp.int32)
                            part = part + plsc.load_gather(tbl_v, [safe])
                        seg_e = seg_e + (part & _EMASK)
                        seg_o = seg_o + ((part >> 4) & _EMASK)
                    br_e = br_e + (((seg_e + _SEGBIAS) >> 7) & _ONES)
                    br_o = br_o + (((seg_o + _SEGBIAS) >> 7) & _ONES)
                    return br_e, br_o

                br_e, br_o = plsc.parallel_loop(
                    0, _HS, carry=(br_e, br_o))(seg_loop)
                if half == 0:
                    acc_v[0, pl.ds(cg * _L, _L)] = br_e
                    acc_v[1, pl.ds(cg * _L, _L)] = br_o
                else:
                    off = p * _C + cg * _L
                    oe_v[pl.ds(off, _L)] = ((br_e + _BRBIAS) >> 7) & _ONES
                    oo_v[pl.ds(off, _L)] = ((br_o + _BRBIAS) >> 7) & _ONES
                return 0

            lax.fori_loop(0, _CG, cg_body, 0)

            @pl.when(p + 1 < _PPW)
            def _():
                pltpu.async_copy(half_src(p + 1, half), seg_v.at[half], sem)
        return carry

    lax.fori_loop(0, _PPW, pair_body, 0)
    out0 = pair0 * _C
    pltpu.sync_copy(oe_v, oe_hbm.at[pl.ds(out0, _PPW * _C)])
    pltpu.sync_copy(oo_v, oo_hbm.at[pl.ds(out0, _PPW * _C)])


_sc_call = functools.partial(
    pl.kernel,
    mesh=plsc.VectorSubcoreMesh(core_axis_name="c", subcore_axis_name="s"),
    compiler_params=pltpu.CompilerParams(needs_layout_passes=False),
    out_type=[jax.ShapeDtypeStruct((_NPAIR * _C,), jnp.int32),
              jax.ShapeDtypeStruct((_NPAIR * _C,), jnp.int32)],
    scratch_types=[
        pltpu.VMEM((_TBL,), jnp.int32),
        pltpu.VMEM((2, _S // 2, _SYN, _C), jnp.int32),
        pltpu.VMEM((2, _C), jnp.int32),
        pltpu.VMEM((_PPW * _C,), jnp.int32),
        pltpu.VMEM((_PPW * _C,), jnp.int32),
        pltpu.SemaphoreType.DMA,
        pltpu.SemaphoreType.DMA,
        pltpu.SemaphoreType.DMA,
    ],
)(_sc_body)


def kernel(x, idx):
    prev = x != 0
    bits = prev.astype(jnp.int32)
    shifts = (jnp.arange(8, dtype=jnp.int32) * 4)[:, None]
    packed = jnp.sum(bits << shifts, axis=0)
    idx_t = jnp.transpose(idx, (1, 2, 3, 4, 0))
    oe, oo = _sc_call(packed, idx_t)
    packed_to = jnp.stack([oe, oo], axis=0)
    sh = (jnp.arange(4, dtype=jnp.int32) * 8)[:, None, None]
    bon = (packed_to[None] >> sh) & 1
    bon = bon.reshape(8, _T, _BR, _C)
    bon = jnp.transpose(bon, (0, 3, 1, 2)).astype(jnp.bool_)
    final = bon[:, :, 0].astype(jnp.int32)
    return (final, prev, bon)

# --- scband reference (transcript-rebuilt; emitter-appended) ---
"""Pipeline reference for scband-columnar-network-30408368455888 (READ-ONLY COPY).

The authoritative reference and input builder live on the scoring server;
editing this copy changes nothing except your own understanding.
"""

import jax, jax.numpy as jnp
import numpy as np

BATCH = 8
INPUT_SIZE = 8192
C, T, BR, S, SYN = 64, 16, 8, 16, 32
SEG_T = 8
BR_T = 4


def setup_inputs(seed: int = 0) -> dict:
    key = jax.random.key(seed)
    k1, k2 = jax.random.split(key)
    # binary {0,1} input activations
    x = jax.random.randint(k1, (BATCH, INPUT_SIZE), 0, 2).astype(jnp.int32)
    # sparse connection index matrix (module parameter); -1 means no synapse,
    # otherwise index into prev layer activations [0, INPUT_SIZE)
    idx = jax.random.randint(k2, (C, T, BR, S, SYN), -1, INPUT_SIZE).astype(jnp.int32)
    return {"x": x, "idx": idx}


def reference(x, idx):
    # act = x.bool()
    prev = (x != 0)  # (B, N_prev) bool
    B = prev.shape[0]
    idx_flat = idx.reshape(-1, SYN)  # (C*T*BR*S, SYN)
    safe = jnp.clip(idx_flat, 0, None)
    # gathered = where(idx >= 0, prev[:, idx.clamp(min=0)], 0)
    gathered = jnp.where(idx_flat >= 0, prev[:, safe], False)  # (B, C*T*BR*S, SYN)
    gathered = gathered.reshape(B, C, T, BR, S, SYN)
    seg_sum = gathered.sum(-1)              # (B, C, T, BR, S) int
    seg_on = seg_sum >= SEG_T               # bool
    branch_sum = seg_on.sum(-1)             # (B, C, T, BR) int
    branch_on = branch_sum >= BR_T          # bool
    # trace = [prev, branch_on]; return (trace[-1][:, :, 0].int(), trace)
    final = branch_on[:, :, 0].astype(jnp.int32)  # (B, C, BR)
    return (final, prev, branch_on)

if __name__ == "__main__":
    import jax
    _d = setup_inputs()
    print(jax.jit(kernel)(*tuple(_d.values())))

</pallas_src>

<mosaic_0001>
#map = affine_map<(d0, d1) -> (0)>
#map1 = affine_map<(d0, d1) -> (0, 0, 0, 0, 0)>
module attributes {stable_mosaic.version = 14 : i64} {
  func.func @_sc_body(%arg0: i32, %arg1: i32, %arg2: memref<8192xi32, #tpu.memory_space<hbm>>, %arg3: memref<16x8x16x32x64xi32, #tpu.memory_space<hbm>>, %arg4: memref<8192xi32, #tpu.memory_space<hbm>>, %arg5: memref<8192xi32, #tpu.memory_space<hbm>>, %arg6: memref<8208xi32, #tpu.memory_space<vmem>>, %arg7: memref<2x8x32x64xi32, #tpu.memory_space<vmem>>, %arg8: memref<2x64xi32, #tpu.memory_space<vmem>>, %arg9: memref<256xi32, #tpu.memory_space<vmem>>, %arg10: memref<256xi32, #tpu.memory_space<vmem>>, %arg11: memref<!tpu.dma_semaphore, #tpu.memory_space<semaphore_mem>>, %arg12: memref<!tpu.dma_semaphore, #tpu.memory_space<semaphore_mem>>, %arg13: memref<!tpu.dma_semaphore, #tpu.memory_space<semaphore_mem>>) attributes {dimension_semantics = [#tpu.dimension_semantics<core_parallel>, #tpu.dimension_semantics<subcore_parallel>], iteration_bounds = array<i64: 2, 16>, scalar_prefetch = 0 : i64, scratch_operands = 8 : i64, tpu.core_type = #tpu.core_type<sc_vector_subcore>, window_params = [{transform_indices = #map}, {transform_indices = #map1}, {transform_indices = #map}, {transform_indices = #map}]} {
    %mul3A = arith.constant 2 : i32
    %mul3A_0 = arith.muli %arg1, %mul3A : i32
    %add3A = arith.addi %mul3A_0, %arg0 : i32
    %mul3A_1 = arith.constant 4 : i32
    %mul3A_2 = arith.muli %add3A, %mul3A_1 : i32
    %dma_start3A = arith.constant 0 : i32
    %dma_start3A_3 = tpu.memref_slice %arg6[%dma_start3A] : memref<8208xi32, #tpu.memory_space<vmem>> -> memref<8192xi32, #tpu.memory_space<vmem>>
    %dma_start3A_4 = arith.constant 0 : i32
    %dma_start3A_5 = tpu.memref_slice %arg6[%dma_start3A_4] : memref<8208xi32, #tpu.memory_space<vmem>> -> memref<8192xi32, #tpu.memory_space<vmem>>
    tpu.enqueue_dma source(%arg2 : memref<8192xi32, #tpu.memory_space<hbm>>) target(%dma_start3A_5 : memref<8192xi32, #tpu.memory_space<vmem>>) target_semaphore(%arg11 : memref<!tpu.dma_semaphore, #tpu.memory_space<semaphore_mem>>)
    %add3A_6 = arith.constant 0 : i32
    %add3A_7 = arith.addi %mul3A_2, %add3A_6 : i32
    %jit3A = arith.constant 8 : i32
    %div3A = arith.divsi %add3A_7, %jit3A : i32
    %sign3A = arith.constant 0 : i32
    %sign3A_8 = arith.cmpi sgt, %add3A_7, %sign3A : i32
    %sign3A_9 = arith.extui %sign3A_8 : i1 to i32
    %sign3A_10 = arith.constant 0 : i32
    %sign3A_11 = arith.cmpi slt, %add3A_7, %sign3A_10 : i32
    %sign3A_12 = arith.extui %sign3A_11 : i1 to i32
    %sign3A_13 = arith.subi %sign3A_9, %sign3A_12 : i32
    %sign3A_14 = arith.constant 0 : i32
    %sign3A_15 = arith.cmpi sgt, %jit3A, %sign3A_14 : i32
    %sign3A_16 = arith.extui %sign3A_15 : i1 to i32
    %sign3A_17 = arith.constant 0 : i32
    %sign3A_18 = arith.cmpi slt, %jit3A, %sign3A_17 : i32
    %sign3A_19 = arith.extui %sign3A_18 : i1 to i32
    %sign3A_20 = arith.subi %sign3A_16, %sign3A_19 : i32
    %ne3A = arith.cmpi ne, %sign3A_13, %sign3A_20 : i32
    %rem3A = arith.remsi %add3A_7, %jit3A : i32
    %ne3A_21 = arith.constant 0 : i32
    %ne3A_22 = arith.cmpi ne, %rem3A, %ne3A_21 : i32
    %and3A = arith.andi %ne3A, %ne3A_22 : i1
    %sub3A = arith.constant 1 : i32
    %sub3A_23 = arith.subi %div3A, %sub3A : i32
    %select_n3A = arith.select %and3A, %sub3A_23, %div3A : i32
    %jit3A_24 = arith.constant 8 : i32
    %eq3A = arith.constant 0 : i32
    %eq3A_25 = arith.cmpi eq, %jit3A_24, %eq3A : i32
    %jit3A_26 = arith.constant 1 : i32
    %select_n3A_27 = arith.select %eq3A_25, %jit3A_26, %jit3A_24 : i32
    %rem3A_28 = arith.remsi %add3A_7, %select_n3A_27 : i32
    %ne3A_29 = arith.constant 0 : i32
    %ne3A_30 = arith.cmpi ne, %rem3A_28, %ne3A_29 : i32
    %lt3A = arith.constant 0 : i32
    %lt3A_31 = arith.cmpi slt, %rem3A_28, %lt3A : i32
    %lt3A_32 = arith.constant 0 : i32
    %lt3A_33 = arith.cmpi slt, %select_n3A_27, %lt3A_32 : i32
    %ne3A_34 = arith.xori %lt3A_31, %lt3A_33 : i1
    %and3A_35 = arith.andi %ne3A_34, %ne3A_30 : i1
    %add3A_36 = arith.addi %rem3A_28, %select_n3A_27 : i32
    %select_n3A_37 = arith.select %and3A_35, %add3A_36, %rem3A_28 : i32
    %dma_start3A_38 = arith.constant 0 : i32
    %dma_start3A_39 = arith.constant 0 : i32
    %dma_start3A_40 = arith.constant 0 : i32
    %dma_start3A_41 = arith.constant 0 : i32
    %dma_start3A_42 = tpu.memref_slice %arg7[%dma_start3A_38, %dma_start3A_39, %dma_start3A_40, %dma_start3A_41] : memref<2x8x32x64xi32, #tpu.memory_space<vmem>> -> memref<1x8x32x64xi32, #tpu.memory_space<vmem>>
    %dma_start3A_43 = tpu.memref_squeeze %dma_start3A_42 : memref<1x8x32x64xi32, #tpu.memory_space<vmem>> -> memref<8x32x64xi32, #tpu.memory_space<vmem>>
    %dma_start3A_44 = arith.constant 0 : i32
    %dma_start3A_45 = arith.constant 0 : i32
    %dma_start3A_46 = arith.constant 0 : i32
    %dma_start3A_47 = tpu.memref_slice %arg3[%select_n3A, %select_n3A_37, %dma_start3A_44, %dma_start3A_45, %dma_start3A_46] : memref<16x8x16x32x64xi32, #tpu.memory_space<hbm>> -> memref<1x1x8x32x64xi32, #tpu.memory_space<hbm>>
    %dma_start3A_48 = tpu.memref_squeeze %dma_start3A_47 : memref<1x1x8x32x64xi32, #tpu.memory_space<hbm>> -> memref<8x32x64xi32, #tpu.memory_space<hbm>>
    %dma_start3A_49 = arith.constant 0 : i32
    %dma_start3A_50 = arith.constant 0 : i32
    %dma_start3A_51 = arith.constant 0 : i32
    %dma_start3A_52 = tpu.memref_slice %arg7[%dma_start3A_38, %dma_start3A_49, %dma_start3A_50, %dma_start3A_51] : memref<2x8x32x64xi32, #tpu.memory_space<vmem>> -> memref<1x8x32x64xi32, #tpu.memory_space<vmem>>
    %dma_start3A_53 = tpu.memref_squeeze %dma_start3A_52 : memref<1x8x32x64xi32, #tpu.memory_space<vmem>> -> memref<8x32x64xi32, #tpu.memory_space<vmem>>
    %dma_start3A_54 = arith.constant 0 : i32
    %dma_start3A_55 = arith.constant 0 : i32
    %dma_start3A_56 = arith.constant 0 : i32
    %dma_start3A_57 = tpu.memref_slice %arg3[%select_n3A, %select_n3A_37, %dma_start3A_54, %dma_start3A_55, %dma_start3A_56] : memref<16x8x16x32x64xi32, #tpu.memory_space<hbm>> -> memref<1x1x8x32x64xi32, #tpu.memory_space<hbm>>
    %dma_start3A_58 = tpu.memref_squeeze %dma_start3A_57 : memref<1x1x8x32x64xi32, #tpu.memory_space<hbm>> -> memref<8x32x64xi32, #tpu.memory_space<hbm>>
    tpu.enqueue_dma source(%dma_start3A_58 : memref<8x32x64xi32, #tpu.memory_space<hbm>>) target(%dma_start3A_53 : memref<8x32x64xi32, #tpu.memory_space<vmem>>) target_semaphore(%arg12 : memref<!tpu.dma_semaphore, #tpu.memory_space<semaphore_mem>>)
    %add3A_59 = arith.constant 0 : i32
    %add3A_60 = arith.addi %mul3A_2, %add3A_59 : i32
    %jit3A_61 = arith.constant 8 : i32
    %div3A_62 = arith.divsi %add3A_60, %jit3A_61 : i32
    %sign3A_63 = arith.constant 0 : i32
    %sign3A_64 = arith.cmpi sgt, %add3A_60, %sign3A_63 : i32
    %sign3A_65 = arith.extui %sign3A_64 : i1 to i32
    %sign3A_66 = arith.constant 0 : i32
    %sign3A_67 = arith.cmpi slt, %add3A_60, %sign3A_66 : i32
    %sign3A_68 = arith.extui %sign3A_67 : i1 to i32
    %sign3A_69 = arith.subi %sign3A_65, %sign3A_68 : i32
    %sign3A_70 = arith.constant 0 : i32
    %sign3A_71 = arith.cmpi sgt, %jit3A_61, %sign3A_70 : i32
    %sign3A_72 = arith.extui %sign3A_71 : i1 to i32
    %sign3A_73 = arith.constant 0 : i32
    %sign3A_74 = arith.cmpi slt, %jit3A_61, %sign3A_73 : i32
    %sign3A_75 = arith.extui %sign3A_74 : i1 to i32
    %sign3A_76 = arith.subi %sign3A_72, %sign3A_75 : i32
    %ne3A_77 = arith.cmpi ne, %sign3A_69, %sign3A_76 : i32
    %rem3A_78 = arith.remsi %add3A_60, %jit3A_61 : i32
    %ne3A_79 = arith.constant 0 : i32
    %ne3A_80 = arith.cmpi ne, %rem3A_78, %ne3A_79 : i32
    %and3A_81 = arith.andi %ne3A_77, %ne3A_80 : i1
    %sub3A_82 = arith.constant 1 : i32
    %sub3A_83 = arith.subi %div3A_62, %sub3A_82 : i32
    %select_n3A_84 = arith.select %and3A_81, %sub3A_83, %div3A_62 : i32
    %jit3A_85 = arith.constant 8 : i32
    %eq3A_86 = arith.constant 0 : i32
    %eq3A_87 = arith.cmpi eq, %jit3A_85, %eq3A_86 : i32
    %jit3A_88 = arith.constant 1 : i32
    %select_n3A_89 = arith.select %eq3A_87, %jit3A_88, %jit3A_85 : i32
    %rem3A_90 = arith.remsi %add3A_60, %select_n3A_89 : i32
    %ne3A_91 = arith.constant 0 : i32
    %ne3A_92 = arith.cmpi ne, %rem3A_90, %ne3A_91 : i32
    %lt3A_93 = arith.constant 0 : i32
    %lt3A_94 = arith.cmpi slt, %rem3A_90, %lt3A_93 : i32
    %lt3A_95 = arith.constant 0 : i32
    %lt3A_96 = arith.cmpi slt, %select_n3A_89, %lt3A_95 : i32
    %ne3A_97 = arith.xori %lt3A_94, %lt3A_96 : i1
    %and3A_98 = arith.andi %ne3A_97, %ne3A_92 : i1
    %add3A_99 = arith.addi %rem3A_90, %select_n3A_89 : i32
    %select_n3A_100 = arith.select %and3A_98, %add3A_99, %rem3A_90 : i32
    %dma_start3A_101 = arith.constant 1 : i32
    %dma_start3A_102 = arith.constant 0 : i32
    %dma_start3A_103 = arith.constant 0 : i32
    %dma_start3A_104 = arith.constant 0 : i32
    %dma_start3A_105 = tpu.memref_slice %arg7[%dma_start3A_101, %dma_start3A_102, %dma_start3A_103, %dma_start3A_104] : memref<2x8x32x64xi32, #tpu.memory_space<vmem>> -> memref<1x8x32x64xi32, #tpu.memory_space<vmem>>
    %dma_start3A_106 = tpu.memref_squeeze %dma_start3A_105 : memref<1x8x32x64xi32, #tpu.memory_space<vmem>> -> memref<8x32x64xi32, #tpu.memory_space<vmem>>
    %dma_start3A_107 = arith.constant 8 : i32
    %dma_start3A_108 = arith.constant 0 : i32
    %dma_start3A_109 = arith.constant 0 : i32
    %dma_start3A_110 = tpu.memref_slice %arg3[%select_n3A_84, %select_n3A_100, %dma_start3A_107, %dma_start3A_108, %dma_start3A_109] : memref<16x8x16x32x64xi32, #tpu.memory_space<hbm>> -> memref<1x1x8x32x64xi32, #tpu.memory_space<hbm>>
    %dma_start3A_111 = tpu.memref_squeeze %dma_start3A_110 : memref<1x1x8x32x64xi32, #tpu.memory_space<hbm>> -> memref<8x32x64xi32, #tpu.memory_space<hbm>>
    %dma_start3A_112 = arith.constant 0 : i32
    %dma_start3A_113 = arith.constant 0 : i32
    %dma_start3A_114 = arith.constant 0 : i32
    %dma_start3A_115 = tpu.memref_slice %arg7[%dma_start3A_101, %dma_start3A_112, %dma_start3A_113, %dma_start3A_114] : memref<2x8x32x64xi32, #tpu.memory_space<vmem>> -> memref<1x8x32x64xi32, #tpu.memory_space<vmem>>
    %dma_start3A_116 = tpu.memref_squeeze %dma_start3A_115 : memref<1x8x32x64xi32, #tpu.memory_space<vmem>> -> memref<8x32x64xi32, #tpu.memory_space<vmem>>
    %dma_start3A_117 = arith.constant 8 : i32
    %dma_start3A_118 = arith.constant 0 : i32
    %dma_start3A_119 = arith.constant 0 : i32
    %dma_start3A_120 = tpu.memref_slice %arg3[%select_n3A_84, %select_n3A_100, %dma_start3A_117, %dma_start3A_118, %dma_start3A_119] : memref<16x8x16x32x64xi32, #tpu.memory_space<hbm>> -> memref<1x1x8x32x64xi32, #tpu.memory_space<hbm>>
    %dma_start3A_121 = tpu.memref_squeeze %dma_start3A_120 : memref<1x1x8x32x64xi32, #tpu.memory_space<hbm>> -> memref<8x32x64xi32, #tpu.memory_space<hbm>>
    tpu.enqueue_dma source(%dma_start3A_121 : memref<8x32x64xi32, #tpu.memory_space<hbm>>) target(%dma_start3A_116 : memref<8x32x64xi32, #tpu.memory_space<vmem>>) target_semaphore(%arg13 : memref<!tpu.dma_semaphore, #tpu.memory_space<semaphore_mem>>)
    %dma_wait3A = arith.constant 0 : i32
    %dma_wait3A_122 = tpu.memref_slice %arg6[%dma_wait3A] : memref<8208xi32, #tpu.memory_space<vmem>> -> memref<8192xi32, #tpu.memory_space<vmem>>
    %dma_wait3A_123 = arith.constant 0 : i32
    %dma_wait3A_124 = tpu.memref_slice %arg6[%dma_wait3A_123] : memref<8208xi32, #tpu.memory_space<vmem>> -> memref<8192xi32, #tpu.memory_space<vmem>>
    tpu.wait_dma2 semaphore(%arg11 : memref<!tpu.dma_semaphore, #tpu.memory_space<semaphore_mem>>) src(%arg2 : memref<8192xi32, #tpu.memory_space<hbm>>) dst(%dma_wait3A_124 : memref<8192xi32, #tpu.memory_space<vmem>>)
    %broadcast_in_dim3A = arith.constant 0 : i32
    %broadcast_in_dim3A_125 = vector.broadcast %broadcast_in_dim3A : i32 to vector<16xi32>
    %broadcast_in_dim3A_126 = arith.constant 8192 : i32
    %broadcast_in_dim3A_127 = vector.broadcast %broadcast_in_dim3A_126 : i32 to vector<16xi32>
    %swap3A = arith.constant 8192 : index
    %swap3A_128 = tpu.vector_load %arg6[%swap3A] {strides = array<i32>} : memref<8208xi32, #tpu.memory_space<vmem>>, vector<16xi32>,
    tpu.vector_store %arg6[%swap3A], %broadcast_in_dim3A_125 {strides = array<i32>} : memref<8208xi32, #tpu.memory_space<vmem>>, vector<16xi32>,
    %scan3A = arith.constant 0 : i32
    %scan3A_129 = arith.constant 0 : i32
    %scan3A_130 = arith.constant 4 : i32
    %scan3A_131 = arith.addi %scan3A_129, %scan3A_130 : i32
    %scan3A_132 = arith.constant 1 : i32
    scf.for %scan3A_136 = %scan3A_129 to %scan3A_131 step %scan3A_132  : i32 {
      %add3A_137 = arith.addi %mul3A_2, %scan3A_136 : i32
      %jit3A_138 = arith.constant 8 : i32
      %div3A_139 = arith.divsi %add3A_137, %jit3A_138 : i32
      %sign3A_140 = arith.constant 0 : i32
      %sign3A_141 = arith.cmpi sgt, %add3A_137, %sign3A_140 : i32
      %sign3A_142 = arith.extui %sign3A_141 : i1 to i32
      %sign3A_143 = arith.constant 0 : i32
      %sign3A_144 = arith.cmpi slt, %add3A_137, %sign3A_143 : i32
      %sign3A_145 = arith.extui %sign3A_144 : i1 to i32
      %sign3A_146 = arith.subi %sign3A_142, %sign3A_145 : i32
      %sign3A_147 = arith.constant 0 : i32
      %sign3A_148 = arith.cmpi sgt, %jit3A_138, %sign3A_147 : i32
      %sign3A_149 = arith.extui %sign3A_148 : i1 to i32
      %sign3A_150 = arith.constant 0 : i32
      %sign3A_151 = arith.cmpi slt, %jit3A_138, %sign3A_150 : i32
      %sign3A_152 = arith.extui %sign3A_151 : i1 to i32
      %sign3A_153 = arith.subi %sign3A_149, %sign3A_152 : i32
      %ne3A_154 = arith.cmpi ne, %sign3A_146, %sign3A_153 : i32
      %rem3A_155 = arith.remsi %add3A_137, %jit3A_138 : i32
      %ne3A_156 = arith.constant 0 : i32
      %ne3A_157 = arith.cmpi ne, %rem3A_155, %ne3A_156 : i32
      %and3A_158 = arith.andi %ne3A_154, %ne3A_157 : i1
      %sub3A_159 = arith.constant 1 : i32
      %sub3A_160 = arith.subi %div3A_139, %sub3A_159 : i32
      %select_n3A_161 = arith.select %and3A_158, %sub3A_160, %div3A_139 : i32
      %jit3A_162 = arith.constant 8 : i32
      %eq3A_163 = arith.constant 0 : i32
      %eq3A_164 = arith.cmpi eq, %jit3A_162, %eq3A_163 : i32
      %jit3A_165 = arith.constant 1 : i32
      %select_n3A_166 = arith.select %eq3A_164, %jit3A_165, %jit3A_162 : i32
      %rem3A_167 = arith.remsi %add3A_137, %select_n3A_166 : i32
      %ne3A_168 = arith.constant 0 : i32
      %ne3A_169 = arith.cmpi ne, %rem3A_167, %ne3A_168 : i32
      %lt3A_170 = arith.constant 0 : i32
      %lt3A_171 = arith.cmpi slt, %rem3A_167, %lt3A_170 : i32
      %lt3A_172 = arith.constant 0 : i32
      %lt3A_173 = arith.cmpi slt, %select_n3A_166, %lt3A_172 : i32
      %ne3A_174 = arith.xori %lt3A_171, %lt3A_173 : i1
      %and3A_175 = arith.andi %ne3A_174, %ne3A_169 : i1
      %add3A_176 = arith.addi %rem3A_167, %select_n3A_166 : i32
      %select_n3A_177 = arith.select %and3A_175, %add3A_176, %rem3A_167 : i32
      %dma_wait3A_178 = arith.constant 0 : i32
      %dma_wait3A_179 = arith.constant 0 : i32
      %dma_wait3A_180 = arith.constant 0 : i32
      %dma_wait3A_181 = arith.constant 0 : i32
      %dma_wait3A_182 = tpu.memref_slice %arg7[%dma_wait3A_178, %dma_wait3A_179, %dma_wait3A_180, %dma_wait3A_181] : memref<2x8x32x64xi32, #tpu.memory_space<vmem>> -> memref<1x8x32x64xi32, #tpu.memory_space<vmem>>
      %dma_wait3A_183 = tpu.memref_squeeze %dma_wait3A_182 : memref<1x8x32x64xi32, #tpu.memory_space<vmem>> -> memref<8x32x64xi32, #tpu.memory_space<vmem>>
      %dma_wait3A_184 = arith.constant 0 : i32
      %dma_wait3A_185 = arith.constant 0 : i32
      %dma_wait3A_186 = arith.constant 0 : i32
      %dma_wait3A_187 = tpu.memref_slice %arg3[%select_n3A_161, %select_n3A_177, %dma_wait3A_184, %dma_wait3A_185, %dma_wait3A_186] : memref<16x8x16x32x64xi32, #tpu.memory_space<hbm>> -> memref<1x1x8x32x64xi32, #tpu.memory_space<hbm>>
      %dma_wait3A_188 = tpu.memref_squeeze %dma_wait3A_187 : memref<1x1x8x32x64xi32, #tpu.memory_space<hbm>> -> memref<8x32x64xi32, #tpu.memory_space<hbm>>
      %dma_wait3A_189 = arith.constant 0 : i32
      %dma_wait3A_190 = arith.constant 0 : i32
      %dma_wait3A_191 = arith.constant 0 : i32
      %dma_wait3A_192 = tpu.memref_slice %arg7[%dma_wait3A_178, %dma_wait3A_189, %dma_wait3A_190, %dma_wait3A_191] : memref<2x8x32x64xi32, #tpu.memory_space<vmem>> -> memref<1x8x32x64xi32, #tpu.memory_space<vmem>>
      %dma_wait3A_193 = tpu.memref_squeeze %dma_wait3A_192 : memref<1x8x32x64xi32, #tpu.memory_space<vmem>> -> memref<8x32x64xi32, #tpu.memory_space<vmem>>
      %dma_wait3A_194 = arith.constant 0 : i32
      %dma_wait3A_195 = arith.constant 0 : i32
      %dma_wait3A_196 = arith.constant 0 : i32
      %dma_wait3A_197 = tpu.memref_slice %arg3[%select_n3A_161, %select_n3A_177, %dma_wait3A_194, %dma_wait3A_195, %dma_wait3A_196] : memref<16x8x16x32x64xi32, #tpu.memory_space<hbm>> -> memref<1x1x8x32x64xi32, #tpu.memory_space<hbm>>
      %dma_wait3A_198 = tpu.memref_squeeze %dma_wait3A_197 : memref<1x1x8x32x64xi32, #tpu.memory_space<hbm>> -> memref<8x32x64xi32, #tpu.memory_space<hbm>>
      tpu.wait_dma2 semaphore(%arg12 : memref<!tpu.dma_semaphore, #tpu.memory_space<semaphore_mem>>) src(%dma_wait3A_198 : memref<8x32x64xi32, #tpu.memory_space<hbm>>) dst(%dma_wait3A_193 : memref<8x32x64xi32, #tpu.memory_space<vmem>>)
      %scan3A_199 = arith.constant 0 : i32
      %scan3A_200 = arith.constant 0 : i32
      %scan3A_201 = arith.constant 4 : i32
      %scan3A_202 = arith.addi %scan3A_200, %scan3A_201 : i32
      %scan3A_203 = arith.constant 1 : i32
      %scan3A_204 = scf.for %scan3A_287 = %scan3A_200 to %scan3A_202 step %scan3A_203 iter_args(%scan3A_288 = %scan3A_199) -> (i32)  : i32 {
        %parallel_loop3A = arith.constant 0 : i32
        %parallel_loop3A_289 = arith.constant 8 : i32
        %parallel_loop3A_290 = arith.constant 1 : i32
        %parallel_loop3A_291:2 = scf.for %parallel_loop3A_305 = %parallel_loop3A to %parallel_loop3A_289 step %parallel_loop3A_290 iter_args(%parallel_loop3A_306 = %broadcast_in_dim3A_125, %parallel_loop3A_307 = %broadcast_in_dim3A_125) -> (vector<16xi32>, vector<16xi32>)  : i32 {
          %parallel_loop3A_308 = arith.constant 16 : i32
          %parallel_loop3A_309 = arith.muli %scan3A_287, %parallel_loop3A_308 : i32
          %parallel_loop3A_310 = arith.constant 0 : i32
          %parallel_loop3A_311 = arith.constant 0 : i32
          %parallel_loop3A_312 = arith.index_cast %parallel_loop3A_310 : i32 to index
          %parallel_loop3A_313 = arith.index_cast %parallel_loop3A_305 : i32 to index
          %parallel_loop3A_314 = arith.index_cast %parallel_loop3A_311 : i32 to index
          %parallel_loop3A_315 = arith.index_cast %parallel_loop3A_309 : i32 to index
          %parallel_loop3A_316 = tpu.vector_load %arg7[%parallel_loop3A_312, %parallel_loop3A_313, %parallel_loop3A_314, %parallel_loop3A_315] {strides = array<i32>} : memref<2x8x32x64xi32, #tpu.memory_space<vmem>>, vector<16xi32>,
          %parallel_loop3A_317 = vector.bitcast %parallel_loop3A_316 : vector<16xi32> to vector<16xi32>
          %parallel_loop3A_318 = arith.minui %parallel_loop3A_317, %broadcast_in_dim3A_127 : vector<16xi32>
          %parallel_loop3A_319 = vector.bitcast %parallel_loop3A_318 : vector<16xi32> to vector<16xi32>
          %parallel_loop3A_320 = tpu.vector_load_idx %arg6[%parallel_loop3A_319] : memref<8208xi32, #tpu.memory_space<vmem>>[vector<16xi32>], vector<16xi32>,
          %parallel_loop3A_321 = arith.addi %broadcast_in_dim3A_125, %parallel_loop3A_320 : vector<16xi32>
          %parallel_loop3A_322 = arith.constant 16 : i32
          %parallel_loop3A_323 = arith.muli %scan3A_287, %parallel_loop3A_322 : i32
          %parallel_loop3A_324 = arith.constant 0 : i32
          %parallel_loop3A_325 = arith.constant 1 : i32
          %parallel_loop3A_326 = arith.index_cast %parallel_loop3A_324 : i32 to index
          %parallel_loop3A_327 = arith.index_cast %parallel_loop3A_305 : i32 to index
          %parallel_loop3A_328 = arith.index_cast %parallel_loop3A_325 : i32 to index
          %parallel_loop3A_329 = arith.index_cast %parallel_loop3A_323 : i32 to index
          %parallel_loop3A_330 = tpu.vector_load %arg7[%parallel_loop3A_326, %parallel_loop3A_327, %parallel_loop3A_328, %parallel_loop3A_329] {strides = array<i32>} : memref<2x8x32x64xi32, #tpu.memory_space<vmem>>, vector<16xi32>,
          %parallel_loop3A_331 = vector.bitcast %parallel_loop3A_330 : vector<16xi32> to vector<16xi32>
          %parallel_loop3A_332 = arith.minui %parallel_loop3A_331, %broadcast_in_dim3A_127 : vector<16xi32>
          %parallel_loop3A_333 = vector.bitcast %parallel_loop3A_332 : vector<16xi32> to vector<16xi32>
          %parallel_loop3A_334 = tpu.vector_load_idx %arg6[%parallel_loop3A_333] : memref<8208xi32, #tpu.memory_space<vmem>>[vector<16xi32>], vector<16xi32>,
          %parallel_loop3A_335 = arith.addi %parallel_loop3A_321, %parallel_loop3A_334 : vector<16xi32>
          %parallel_loop3A_336 = arith.constant 16 : i32
          %parallel_loop3A_337 = arith.muli %scan3A_287, %parallel_loop3A_336 : i32
          %parallel_loop3A_338 = arith.constant 0 : i32
          %parallel_loop3A_339 = arith.constant 2 : i32
          %parallel_loop3A_340 = arith.index_cast %parallel_loop3A_338 : i32 to index
          %parallel_loop3A_341 = arith.index_cast %parallel_loop3A_305 : i32 to index
          %parallel_loop3A_342 = arith.index_cast %parallel_loop3A_339 : i32 to index
          %parallel_loop3A_343 = arith.index_cast %parallel_loop3A_337 : i32 to index
          %parallel_loop3A_344 = tpu.vector_load %arg7[%parallel_loop3A_340, %parallel_loop3A_341, %parallel_loop3A_342, %parallel_loop3A_343] {strides = array<i32>} : memref<2x8x32x64xi32, #tpu.memory_space<vmem>>, vector<16xi32>,
          %parallel_loop3A_345 = vector.bitcast %parallel_loop3A_344 : vector<16xi32> to vector<16xi32>
          %parallel_loop3A_346 = arith.minui %parallel_loop3A_345, %broadcast_in_dim3A_127 : vector<16xi32>
          %parallel_loop3A_347 = vector.bitcast %parallel_loop3A_346 : vector<16xi32> to vector<16xi32>
          %parallel_loop3A_348 = tpu.vector_load_idx %arg6[%parallel_loop3A_347] : memref<8208xi32, #tpu.memory_space<vmem>>[vector<16xi32>], vector<16xi32>,
          %parallel_loop3A_349 = arith.addi %parallel_loop3A_335, %parallel_loop3A_348 : vector<16xi32>
          %parallel_loop3A_350 = arith.constant 16 : i32
          %parallel_loop3A_351 = arith.muli %scan3A_287, %parallel_loop3A_350 : i32
          %parallel_loop3A_352 = arith.constant 0 : i32
          %parallel_loop3A_353 = arith.constant 3 : i32
          %parallel_loop3A_354 = arith.index_cast %parallel_loop3A_352 : i32 to index
          %parallel_loop3A_355 = arith.index_cast %parallel_loop3A_305 : i32 to index
          %parallel_loop3A_356 = arith.index_cast %parallel_loop3A_353 : i32 to index
          %parallel_loop3A_357 = arith.index_cast %parallel_loop3A_351 : i32 to index
          %parallel_loop3A_358 = tpu.vector_load %arg7[%parallel_loop3A_354, %parallel_loop3A_355, %parallel_loop3A_356, %parallel_loop3A_357] {strides = array<i32>} : memref<2x8x32x64xi32, #tpu.memory_space<vmem>>, vector<16xi32>,
          %parallel_loop3A_359 = vector.bitcast %parallel_loop3A_358 : vector<16xi32> to vector<16xi32>
          %parallel_loop3A_360 = arith.minui %parallel_loop3A_359, %broadcast_in_dim3A_127 : vector<16xi32>
          %parallel_loop3A_361 = vector.bitcast %parallel_loop3A_360 : vector<16xi32> to vector<16xi32>
          %parallel_loop3A_362 = tpu.vector_load_idx %arg6[%parallel_loop3A_361] : memref<8208xi32, #tpu.memory_space<vmem>>[vector<16xi32>], vector<16xi32>,
          %parallel_loop3A_363 = arith.addi %parallel_loop3A_349, %parallel_loop3A_362 : vector<16xi32>
          %parallel_loop3A_364 = arith.constant 16 : i32
          %parallel_loop3A_365 = arith.muli %scan3A_287, %parallel_loop3A_364 : i32
          %parallel_loop3A_366 = arith.constant 0 : i32
          %parallel_loop3A_367 = arith.constant 4 : i32
          %parallel_loop3A_368 = arith.index_cast %parallel_loop3A_366 : i32 to index
          %parallel_loop3A_369 = arith.index_cast %parallel_loop3A_305 : i32 to index
          %parallel_loop3A_370 = arith.index_cast %parallel_loop3A_367 : i32 to index
          %parallel_loop3A_371 = arith.index_cast %parallel_loop3A_365 : i32 to index
          %parallel_loop3A_372 = tpu.vector_load %arg7[%parallel_loop3A_368, %parallel_loop3A_369, %parallel_loop3A_370, %parallel_loop3A_371] {strides = array<i32>} : memref<2x8x32x64xi32, #tpu.memory_space<vmem>>, vector<16xi32>,
          %parallel_loop3A_373 = vector.bitcast %parallel_loop3A_372 : vector<16xi32> to vector<16xi32>
          %parallel_loop3A_374 = arith.minui %parallel_loop3A_373, %broadcast_in_dim3A_127 : vector<16xi32>
          %parallel_loop3A_375 = vector.bitcast %parallel_loop3A_374 : vector<16xi32> to vector<16xi32>
          %parallel_loop3A_376 = tpu.vector_load_idx %arg6[%parallel_loop3A_375] : memref<8208xi32, #tpu.memory_space<vmem>>[vector<16xi32>], vector<16xi32>,
          %parallel_loop3A_377 = arith.addi %parallel_loop3A_363, %parallel_loop3A_376 : vector<16xi32>
          %parallel_loop3A_378 = arith.constant 16 : i32
          %parallel_loop3A_379 = arith.muli %scan3A_287, %parallel_loop3A_378 : i32
          %parallel_loop3A_380 = arith.constant 0 : i32
          %parallel_loop3A_381 = arith.constant 5 : i32
          %parallel_loop3A_382 = arith.index_cast %parallel_loop3A_380 : i32 to index
          %parallel_loop3A_383 = arith.index_cast %parallel_loop3A_305 : i32 to index
          %parallel_loop3A_384 = arith.index_cast %parallel_loop3A_381 : i32 to index
          %parallel_loop3A_385 = arith.index_cast %parallel_loop3A_379 : i32 to index
          %parallel_loop3A_386 = tpu.vector_load %arg7[%parallel_loop3A_382, %parallel_loop3A_383, %parallel_loop3A_384, %parallel_loop3A_385] {strides = array<i32>} : memref<2x8x32x64xi32, #tpu.memory_space<vmem>>, vector<16xi32>,
          %parallel_loop3A_387 = vector.bitcast %parallel_loop3A_386 : vector<16xi32> to vector<16xi32>
          %parallel_loop3A_388 = arith.minui %parallel_loop3A_387, %broadcast_in_dim3A_127 : vector<16xi32>
          %parallel_loop3A_389 = vector.bitcast %parallel_loop3A_388 : vector<16xi32> to vector<16xi32>
          %parallel_loop3A_390 = tpu.vector_load_idx %arg6[%parallel_loop3A_389] : memref<8208xi32, #tpu.memory_space<vmem>>[vector<16xi32>], vector<16xi32>,
          %parallel_loop3A_391 = arith.addi %parallel_loop3A_377, %parallel_loop3A_390 : vector<16xi32>
          %parallel_loop3A_392 = arith.constant 16 : i32
          %parallel_loop3A_393 = arith.muli %scan3A_287, %parallel_loop3A_392 : i32
          %parallel_loop3A_394 = arith.constant 0 : i32
          %parallel_loop3A_395 = arith.constant 6 : i32
          %parallel_loop3A_396 = arith.index_cast %parallel_loop3A_394 : i32 to index
          %parallel_loop3A_397 = arith.index_cast %parallel_loop3A_305 : i32 to index
          %parallel_loop3A_398 = arith.index_cast %parallel_loop3A_395 : i32 to index
          %parallel_loop3A_399 = arith.index_cast %parallel_loop3A_393 : i32 to index
          %parallel_loop3A_400 = tpu.vector_load %arg7[%parallel_loop3A_396, %parallel_loop3A_397, %parallel_loop3A_398, %parallel_loop3A_399] {strides = array<i32>} : memref<2x8x32x64xi32, #tpu.memory_space<vmem>>, vector<16xi32>,
          %parallel_loop3A_401 = vector.bitcast %parallel_loop3A_400 : vector<16xi32> to vector<16xi32>
          %parallel_loop3A_402 = arith.minui %parallel_loop3A_401, %broadcast_in_dim3A_127 : vector<16xi32>
          %parallel_loop3A_403 = vector.bitcast %parallel_loop3A_402 : vector<16xi32> to vector<16xi32>
          %parallel_loop3A_404 = tpu.vector_load_idx %arg6[%parallel_loop3A_403] : memref<8208xi32, #tpu.memory_space<vmem>>[vector<16xi32>], vector<16xi32>,
          %parallel_loop3A_405 = arith.addi %parallel_loop3A_391, %parallel_loop3A_404 : vector<16xi32>
          %parallel_loop3A_406 = arith.constant 16 : i32
          %parallel_loop3A_407 = arith.muli %scan3A_287, %parallel_loop3A_406 : i32
          %parallel_loop3A_408 = arith.constant 0 : i32
          %parallel_loop3A_409 = arith.constant 7 : i32
          %parallel_loop3A_410 = arith.index_cast %parallel_loop3A_408 : i32 to index
          %parallel_loop3A_411 = arith.index_cast %parallel_loop3A_305 : i32 to index
          %parallel_loop3A_412 = arith.index_cast %parallel_loop3A_409 : i32 to index
          %parallel_loop3A_413 = arith.index_cast %parallel_loop3A_407 : i32 to index
          %parallel_loop3A_414 = tpu.vector_load %arg7[%parallel_loop3A_410, %parallel_loop3A_411, %parallel_loop3A_412, %parallel_loop3A_413] {strides = array<i32>} : memref<2x8x32x64xi32, #tpu.memory_space<vmem>>, vector<16xi32>,
          %parallel_loop3A_415 = vector.bitcast %parallel_loop3A_414 : vector<16xi32> to vector<16xi32>
          %parallel_loop3A_416 = arith.minui %parallel_loop3A_415, %broadcast_in_dim3A_127 : vector<16xi32>
          %parallel_loop3A_417 = vector.bitcast %parallel_loop3A_416 : vector<16xi32> to vector<16xi32>
          %parallel_loop3A_418 = tpu.vector_load_idx %arg6[%parallel_loop3A_417] : memref<8208xi32, #tpu.memory_space<vmem>>[vector<16xi32>], vector<16xi32>,
          %parallel_loop3A_419 = arith.addi %parallel_loop3A_405, %parallel_loop3A_418 : vector<16xi32>
          %parallel_loop3A_420 = arith.constant 252645135 : i32
          %parallel_loop3A_421 = vector.broadcast %parallel_loop3A_420 : i32 to vector<16xi32>
          %parallel_loop3A_422 = arith.andi %parallel_loop3A_419, %parallel_loop3A_421 : vector<16xi32>
          %parallel_loop3A_423 = arith.addi %broadcast_in_dim3A_125, %parallel_loop3A_422 : vector<16xi32>
          %parallel_loop3A_424 = arith.constant 4 : i32
          %parallel_loop3A_425 = vector.broadcast %parallel_loop3A_424 : i32 to vector<16xi32>
          %parallel_loop3A_426 = arith.shrsi %parallel_loop3A_419, %parallel_loop3A_425 : vector<16xi32>
          %parallel_loop3A_427 = arith.constant 252645135 : i32
          %parallel_loop3A_428 = vector.broadcast %parallel_loop3A_427 : i32 to vector<16xi32>
          %parallel_loop3A_429 = arith.andi %parallel_loop3A_426, %parallel_loop3A_428 : vector<16xi32>
          %parallel_loop3A_430 = arith.addi %broadcast_in_dim3A_125, %parallel_loop3A_429 : vector<16xi32>
          %parallel_loop3A_431 = arith.constant 16 : i32
          %parallel_loop3A_432 = arith.muli %scan3A_287, %parallel_loop3A_431 : i32
          %parallel_loop3A_433 = arith.constant 0 : i32
          %parallel_loop3A_434 = arith.constant 8 : i32
          %parallel_loop3A_435 = arith.index_cast %parallel_loop3A_433 : i32 to index
          %parallel_loop3A_436 = arith.index_cast %parallel_loop3A_305 : i32 to index
          %parallel_loop3A_437 = arith.index_cast %parallel_loop3A_434 : i32 to index
          %parallel_loop3A_438 = arith.index_cast %parallel_loop3A_432 : i32 to index
          %parallel_loop3A_439 = tpu.vector_load %arg7[%parallel_loop3A_435, %parallel_loop3A_436, %parallel_loop3A_437, %parallel_loop3A_438] {strides = array<i32>} : memref<2x8x32x64xi32, #tpu.memory_space<vmem>>, vector<16xi32>,
          %parallel_loop3A_440 = vector.bitcast %parallel_loop3A_439 : vector<16xi32> to vector<16xi32>
          %parallel_loop3A_441 = arith.minui %parallel_loop3A_440, %broadcast_in_dim3A_127 : vector<16xi32>
          %parallel_loop3A_442 = vector.bitcast %parallel_loop3A_441 : vector<16xi32> to vector<16xi32>
          %parallel_loop3A_443 = tpu.vector_load_idx %arg6[%parallel_loop3A_442] : memref<8208xi32, #tpu.memory_space<vmem>>[vector<16xi32>], vector<16xi32>,
          %parallel_loop3A_444 = arith.addi %broadcast_in_dim3A_125, %parallel_loop3A_443 : vector<16xi32>
          %parallel_loop3A_445 = arith.constant 16 : i32
          %parallel_loop3A_446 = arith.muli %scan3A_287, %parallel_loop3A_445 : i32
          %parallel_loop3A_447 = arith.constant 0 : i32
          %parallel_loop3A_448 = arith.constant 9 : i32
          %parallel_loop3A_449 = arith.index_cast %parallel_loop3A_447 : i32 to index
          %parallel_loop3A_450 = arith.index_cast %parallel_loop3A_305 : i32 to index
          %parallel_loop3A_451 = arith.index_cast %parallel_loop3A_448 : i32 to index
          %parallel_loop3A_452 = arith.index_cast %parallel_loop3A_446 : i32 to index
          %parallel_loop3A_453 = tpu.vector_load %arg7[%parallel_loop3A_449, %parallel_loop3A_450, %parallel_loop3A_451, %parallel_loop3A_452] {strides = array<i32>} : memref<2x8x32x64xi32, #tpu.memory_space<vmem>>, vector<16xi32>,
          %parallel_loop3A_454 = vector.bitcast %parallel_loop3A_453 : vector<16xi32> to vector<16xi32>
          %parallel_loop3A_455 = arith.minui %parallel_loop3A_454, %broadcast_in_dim3A_127 : vector<16xi32>
          %parallel_loop3A_456 = vector.bitcast %parallel_loop3A_455 : vector<16xi32> to vector<16xi32>
          %parallel_loop3A_457 = tpu.vector_load_idx %arg6[%parallel_loop3A_456] : memref<8208xi32, #tpu.memory_space<vmem>>[vector<16xi32>], vector<16xi32>,
          %parallel_loop3A_458 = arith.addi %parallel_loop3A_444, %parallel_loop3A_457 : vector<16xi32>
          %parallel_loop3A_459 = arith.constant 16 : i32
          %parallel_loop3A_460 = arith.muli %scan3A_287, %parallel_loop3A_459 : i32
          %parallel_loop3A_461 = arith.constant 0 : i32
          %parallel_loop3A_462 = arith.constant 10 : i32
          %parallel_loop3A_463 = arith.index_cast %parallel_loop3A_461 : i32 to index
          %parallel_loop3A_464 = arith.index_cast %parallel_loop3A_305 : i32 to index
          %parallel_loop3A_465 = arith.index_cast %parallel_loop3A_462 : i32 to index
          %parallel_loop3A_466 = arith.index_cast %parallel_loop3A_460 : i32 to index
          %parallel_loop3A_467 = tpu.vector_load %arg7[%parallel_loop3A_463, %parallel_loop3A_464, %parallel_loop3A_465, %parallel_loop3A_466] {strides = array<i32>} : memref<2x8x32x64xi32, #tpu.memory_space<vmem>>, vector<16xi32>,
          %parallel_loop3A_468 = vector.bitcast %parallel_loop3A_467 : vector<16xi32> to vector<16xi32>
          %parallel_loop3A_469 = arith.minui %parallel_loop3A_468, %broadcast_in_dim3A_127 : vector<16xi32>
          %parallel_loop3A_470 = vector.bitcast %parallel_loop3A_469 : vector<16xi32> to vector<16xi32>
          %parallel_loop3A_471 = tpu.vector_load_idx %arg6[%parallel_loop3A_470] : memref<8208xi32, #tpu.memory_space<vmem>>[vector<16xi32>], vector<16xi32>,
          %parallel_loop3A_472 = arith.addi %parallel_loop3A_458, %parallel_loop3A_471 : vector<16xi32>
          %parallel_loop3A_473 = arith.constant 16 : i32
          %parallel_loop3A_474 = arith.muli %scan3A_287, %parallel_loop3A_473 : i32
          %parallel_loop3A_475 = arith.constant 0 : i32
          %parallel_loop3A_476 = arith.constant 11 : i32
          %parallel_loop3A_477 = arith.index_cast %parallel_loop3A_475 : i32 to index
          %parallel_loop3A_478 = arith.index_cast %parallel_loop3A_305 : i32 to index
          %parallel_loop3A_479 = arith.index_cast %parallel_loop3A_476 : i32 to index
          %parallel_loop3A_480 = arith.index_cast %parallel_loop3A_474 : i32 to index
          %parallel_loop3A_481 = tpu.vector_load %arg7[%parallel_loop3A_477, %parallel_loop3A_478, %parallel_loop3A_479, %parallel_loop3A_480] {strides = array<i32>} : memref<2x8x32x64xi32, #tpu.memory_space<vmem>>, vector<16xi32>,
          %parallel_loop3A_482 = vector.bitcast %parallel_loop3A_481 : vector<16xi32> to vector<16xi32>
          %parallel_loop3A_483 = arith.minui %parallel_loop3A_482, %broadcast_in_dim3A_127 : vector<16xi32>
          %parallel_loop3A_484 = vector.bitcast %parallel_loop3A_483 : vector<16xi32> to vector<16xi32>
          %parallel_loop3A_485 = tpu.vector_load_idx %arg6[%parallel_loop3A_484] : memref<8208xi32, #tpu.memory_space<vmem>>[vector<16xi32>], vector<16xi32>,
          %parallel_loop3A_486 = arith.addi %parallel_loop3A_472, %parallel_loop3A_485 : vector<16xi32>
          %parallel_loop3A_487 = arith.constant 16 : i32
          %parallel_loop3A_488 = arith.muli %scan3A_287, %parallel_loop3A_487 : i32
          %parallel_loop3A_489 = arith.constant 0 : i32
          %parallel_loop3A_490 = arith.constant 12 : i32
          %parallel_loop3A_491 = arith.index_cast %parallel_loop3A_489 : i32 to index
          %parallel_loop3A_492 = arith.index_cast %parallel_loop3A_305 : i32 to index
          %parallel_loop3A_493 = arith.index_cast %parallel_loop3A_490 : i32 to index
          %parallel_loop3A_494 = arith.index_cast %parallel_loop3A_488 : i32 to index
          %parallel_loop3A_495 = tpu.vector_load %arg7[%parallel_loop3A_491, %parallel_loop3A_492, %parallel_loop3A_493, %parallel_loop3A_494] {strides = array<i32>} : memref<2x8x32x64xi32, #tpu.memory_space<vmem>>, vector<16xi32>,
          %parallel_loop3A_496 = vector.bitcast %parallel_loop3A_495 : vector<16xi32> to vector<16xi32>
          %parallel_loop3A_497 = arith.minui %parallel_loop3A_496, %broadcast_in_dim3A_127 : vector<16xi32>
          %parallel_loop3A_498 = vector.bitcast %parallel_loop3A_497 : vector<16xi32> to vector<16xi32>
          %parallel_loop3A_499 = tpu.vector_load_idx %arg6[%parallel_loop3A_498] : memref<8208xi32, #tpu.memory_space<vmem>>[vector<16xi32>], vector<16xi32>,
          %parallel_loop3A_500 = arith.addi %parallel_loop3A_486, %parallel_loop3A_499 : vector<16xi32>
          %parallel_loop3A_501 = arith.constant 16 : i32
          %parallel_loop3A_502 = arith.muli %scan3A_287, %parallel_loop3A_501 : i32
          %parallel_loop3A_503 = arith.constant 0 : i32
          %parallel_loop3A_504 = arith.constant 13 : i32
          %parallel_loop3A_505 = arith.index_cast %parallel_loop3A_503 : i32 to index
          %parallel_loop3A_506 = arith.index_cast %parallel_loop3A_305 : i32 to index
          %parallel_loop3A_507 = arith.index_cast %parallel_loop3A_504 : i32 to index
          %parallel_loop3A_508 = arith.index_cast %parallel_loop3A_502 : i32 to index
          %parallel_loop3A_509 = tpu.vector_load %arg7[%parallel_loop3A_505, %parallel_loop3A_506, %parallel_loop3A_507, %parallel_loop3A_508] {strides = array<i32>} : memref<2x8x32x64xi32, #tpu.memory_space<vmem>>, vector<16xi32>,
          %parallel_loop3A_510 = vector.bitcast %parallel_loop3A_509 : vector<16xi32> to vector<16xi32>
          %parallel_loop3A_511 = arith.minui %parallel_loop3A_510, %broadcast_in_dim3A_127 : vector<16xi32>
          %parallel_loop3A_512 = vector.bitcast %parallel_loop3A_511 : vector<16xi32> to vector<16xi32>
          %parallel_loop3A_513 = tpu.vector_load_idx %arg6[%parallel_loop3A_512] : memref<8208xi32, #tpu.memory_space<vmem>>[vector<16xi32>], vector<16xi32>,
          %parallel_loop3A_514 = arith.addi %parallel_loop3A_500, %parallel_loop3A_513 : vector<16xi32>
          %parallel_loop3A_515 = arith.constant 16 : i32
          %parallel_loop3A_516 = arith.muli %scan3A_287, %parallel_loop3A_515 : i32
          %parallel_loop3A_517 = arith.constant 0 : i32
          %parallel_loop3A_518 = arith.constant 14 : i32
          %parallel_loop3A_519 = arith.index_cast %parallel_loop3A_517 : i32 to index
          %parallel_loop3A_520 = arith.index_cast %parallel_loop3A_305 : i32 to index
          %parallel_loop3A_521 = arith.index_cast %parallel_loop3A_518 : i32 to index
          %parallel_loop3A_522 = arith.index_cast %parallel_loop3A_516 : i32 to index
          %parallel_loop3A_523 = tpu.vector_load %arg7[%parallel_loop3A_519, %parallel_loop3A_520, %parallel_loop3A_521, %parallel_loop3A_522] {strides = array<i32>} : memref<2x8x32x64xi32, #tpu.memory_space<vmem>>, vector<16xi32>,
          %parallel_loop3A_524 = vector.bitcast %parallel_loop3A_523 : vector<16xi32> to vector<16xi32>
          %parallel_loop3A_525 = arith.minui %parallel_loop3A_524, %broadcast_in_dim3A_127 : vector<16xi32>
          %parallel_loop3A_526 = vector.bitcast %parallel_loop3A_525 : vector<16xi32> to vector<16xi32>
          %parallel_loop3A_527 = tpu.vector_load_idx %arg6[%parallel_loop3A_526] : memref<8208xi32, #tpu.memory_space<vmem>>[vector<16xi32>], vector<16xi32>,
          %parallel_loop3A_528 = arith.addi %parallel_loop3A_514, %parallel_loop3A_527 : vector<16xi32>
          %parallel_loop3A_529 = arith.constant 16 : i32
          %parallel_loop3A_530 = arith.muli %scan3A_287, %parallel_loop3A_529 : i32
          %parallel_loop3A_531 = arith.constant 0 : i32
          %parallel_loop3A_532 = arith.constant 15 : i32
          %parallel_loop3A_533 = arith.index_cast %parallel_loop3A_531 : i32 to index
          %parallel_loop3A_534 = arith.index_cast %parallel_loop3A_305 : i32 to index
          %parallel_loop3A_535 = arith.index_cast %parallel_loop3A_532 : i32 to index
          %parallel_loop3A_536 = arith.index_cast %parallel_loop3A_530 : i32 to index
          %parallel_loop3A_537 = tpu.vector_load %arg7[%parallel_loop3A_533, %parallel_loop3A_534, %parallel_loop3A_535, %parallel_loop3A_536] {strides = array<i32>} : memref<2x8x32x64xi32, #tpu.memory_space<vmem>>, vector<16xi32>,
          %parallel_loop3A_538 = vector.bitcast %parallel_loop3A_537 : vector<16xi32> to vector<16xi32>
          %parallel_loop3A_539 = arith.minui %parallel_loop3A_538, %broadcast_in_dim3A_127 : vector<16xi32>
          %parallel_loop3A_540 = vector.bitcast %parallel_loop3A_539 : vector<16xi32> to vector<16xi32>
          %parallel_loop3A_541 = tpu.vector_load_idx %arg6[%parallel_loop3A_540] : memref<8208xi32, #tpu.memory_space<vmem>>[vector<16xi32>], vector<16xi32>,
          %parallel_loop3A_542 = arith.addi %parallel_loop3A_528, %parallel_loop3A_541 : vector<16xi32>
          %parallel_loop3A_543 = arith.constant 252645135 : i32
          %parallel_loop3A_544 = vector.broadcast %parallel_loop3A_543 : i32 to vector<16xi32>
          %parallel_loop3A_545 = arith.andi %parallel_loop3A_542, %parallel_loop3A_544 : vector<16xi32>
          %parallel_loop3A_546 = arith.addi %parallel_loop3A_423, %parallel_loop3A_545 : vector<16xi32>
          %parallel_loop3A_547 = arith.constant 4 : i32
          %parallel_loop3A_548 = vector.broadcast %parallel_loop3A_547 : i32 to vector<16xi32>
          %parallel_loop3A_549 = arith.shrsi %parallel_loop3A_542, %parallel_loop3A_548 : vector<16xi32>
          %parallel_loop3A_550 = arith.constant 252645135 : i32
          %parallel_loop3A_551 = vector.broadcast %parallel_loop3A_550 : i32 to vector<16xi32>
          %parallel_loop3A_552 = arith.andi %parallel_loop3A_549, %parallel_loop3A_551 : vector<16xi32>
          %parallel_loop3A_553 = arith.addi %parallel_loop3A_430, %parallel_loop3A_552 : vector<16xi32>
          %parallel_loop3A_554 = arith.constant 16 : i32
          %parallel_loop3A_555 = arith.muli %scan3A_287, %parallel_loop3A_554 : i32
          %parallel_loop3A_556 = arith.constant 0 : i32
          %parallel_loop3A_557 = arith.constant 16 : i32
          %parallel_loop3A_558 = arith.index_cast %parallel_loop3A_556 : i32 to index
          %parallel_loop3A_559 = arith.index_cast %parallel_loop3A_305 : i32 to index
          %parallel_loop3A_560 = arith.index_cast %parallel_loop3A_557 : i32 to index
          %parallel_loop3A_561 = arith.index_cast %parallel_loop3A_555 : i32 to index
          %parallel_loop3A_562 = tpu.vector_load %arg7[%parallel_loop3A_558, %parallel_loop3A_559, %parallel_loop3A_560, %parallel_loop3A_561] {strides = array<i32>} : memref<2x8x32x64xi32, #tpu.memory_space<vmem>>, vector<16xi32>,
          %parallel_loop3A_563 = vector.bitcast %parallel_loop3A_562 : vector<16xi32> to vector<16xi32>
          %parallel_loop3A_564 = arith.minui %parallel_loop3A_563, %broadcast_in_dim3A_127 : vector<16xi32>
          %parallel_loop3A_565 = vector.bitcast %parallel_loop3A_564 : vector<16xi32> to vector<16xi32>
          %parallel_loop3A_566 = tpu.vector_load_idx %arg6[%parallel_loop3A_565] : memref<8208xi32, #tpu.memory_space<vmem>>[vector<16xi32>], vector<16xi32>,
          %parallel_loop3A_567 = arith.addi %broadcast_in_dim3A_125, %parallel_loop3A_566 : vector<16xi32>
          %parallel_loop3A_568 = arith.constant 16 : i32
          %parallel_loop3A_569 = arith.muli %scan3A_287, %parallel_loop3A_568 : i32
          %parallel_loop3A_570 = arith.constant 0 : i32
          %parallel_loop3A_571 = arith.constant 17 : i32
          %parallel_loop3A_572 = arith.index_cast %parallel_loop3A_570 : i32 to index
          %parallel_loop3A_573 = arith.index_cast %parallel_loop3A_305 : i32 to index
          %parallel_loop3A_574 = arith.index_cast %parallel_loop3A_571 : i32 to index
          %parallel_loop3A_575 = arith.index_cast %parallel_loop3A_569 : i32 to index
          %parallel_loop3A_576 = tpu.vector_load %arg7[%parallel_loop3A_572, %parallel_loop3A_573, %parallel_loop3A_574, %parallel_loop3A_575] {strides = array<i32>} : memref<2x8x32x64xi32, #tpu.memory_space<vmem>>, vector<16xi32>,
          %parallel_loop3A_577 = vector.bitcast %parallel_loop3A_576 : vector<16xi32> to vector<16xi32>
          %parallel_loop3A_578 = arith.minui %parallel_loop3A_577, %broadcast_in_dim3A_127 : vector<16xi32>
          %parallel_loop3A_579 = vector.bitcast %parallel_loop3A_578 : vector<16xi32> to vector<16xi32>
          %parallel_loop3A_580 = tpu.vector_load_idx %arg6[%parallel_loop3A_579] : memref<8208xi32, #tpu.memory_space<vmem>>[vector<16xi32>], vector<16xi32>,
          %parallel_loop3A_581 = arith.addi %parallel_loop3A_567, %parallel_loop3A_580 : vector<16xi32>
          %parallel_loop3A_582 = arith.constant 16 : i32
          %parallel_loop3A_583 = arith.muli %scan3A_287, %parallel_loop3A_582 : i32
          %parallel_loop3A_584 = arith.constant 0 : i32
          %parallel_loop3A_585 = arith.constant 18 : i32
          %parallel_loop3A_586 = arith.index_cast %parallel_loop3A_584 : i32 to index
          %parallel_loop3A_587 = arith.index_cast %parallel_loop3A_305 : i32 to index
          %parallel_loop3A_588 = arith.index_cast %parallel_loop3A_585 : i32 to index
          %parallel_loop3A_589 = arith.index_cast %parallel_loop3A_583 : i32 to index
          %parallel_loop3A_590 = tpu.vector_load %arg7[%parallel_loop3A_586, %parallel_loop3A_587, %parallel_loop3A_588, %parallel_loop3A_589] {strides = array<i32>} : memref<2x8x32x64xi32, #tpu.memory_space<vmem>>, vector<16xi32>,
          %parallel_loop3A_591 = vector.bitcast %parallel_loop3A_590 : vector<16xi32> to vector<16xi32>
          %parallel_loop3A_592 = arith.minui %parallel_loop3A_591, %broadcast_in_dim3A_127 : vector<16xi32>
          %parallel_loop3A_593 = vector.bitcast %parallel_loop3A_592 : vector<16xi32> to vector<16xi32>
          %parallel_loop3A_594 = tpu.vector_load_idx %arg6[%parallel_loop3A_593] : memref<8208xi32, #tpu.memory_space<vmem>>[vector<16xi32>], vector<16xi32>,
          %parallel_loop3A_595 = arith.addi %parallel_loop3A_581, %parallel_loop3A_594 : vector<16xi32>
          %parallel_loop3A_596 = arith.constant 16 : i32
          %parallel_loop3A_597 = arith.muli %scan3A_287, %parallel_loop3A_596 : i32
          %parallel_loop3A_598 = arith.constant 0 : i32
          %parallel_loop3A_599 = arith.constant 19 : i32
          %parallel_loop3A_600 = arith.index_cast %parallel_loop3A_598 : i32 to index
          %parallel_loop3A_601 = arith.index_cast %parallel_loop3A_305 : i32 to index
          %parallel_loop3A_602 = arith.index_cast %parallel_loop3A_599 : i32 to index
          %parallel_loop3A_603 = arith.index_cast %parallel_loop3A_597 : i32 to index
          %parallel_loop3A_604 = tpu.vector_load %arg7[%parallel_loop3A_600, %parallel_loop3A_601, %parallel_loop3A_602, %parallel_loop3A_603] {strides = array<i32>} : memref<2x8x32x64xi32, #tpu.memory_space<vmem>>, vector<16xi32>,
          %parallel_loop3A_605 = vector.bitcast %parallel_loop3A_604 : vector<16xi32> to vector<16xi32>
          %parallel_loop3A_606 = arith.minui %parallel_loop3A_605, %broadcast_in_dim3A_127 : vector<16xi32>
          %parallel_loop3A_607 = vector.bitcast %parallel_loop3A_606 : vector<16xi32> to vector<16xi32>
          %parallel_loop3A_608 = tpu.vector_load_idx %arg6[%parallel_loop3A_607] : memref<8208xi32, #tpu.memory_space<vmem>>[vector<16xi32>], vector<16xi32>,
          %parallel_loop3A_609 = arith.addi %parallel_loop3A_595, %parallel_loop3A_608 : vector<16xi32>
          %parallel_loop3A_610 = arith.constant 16 : i32
          %parallel_loop3A_611 = arith.muli %scan3A_287, %parallel_loop3A_610 : i32
          %parallel_loop3A_612 = arith.constant 0 : i32
          %parallel_loop3A_613 = arith.constant 20 : i32
          %parallel_loop3A_614 = arith.index_cast %parallel_loop3A_612 : i32 to index
          %parallel_loop3A_615 = arith.index_cast %parallel_loop3A_305 : i32 to index
          %parallel_loop3A_616 = arith.index_cast %parallel_loop3A_613 : i32 to index
          %parallel_loop3A_617 = arith.index_cast %parallel_loop3A_611 : i32 to index
          %parallel_loop3A_618 = tpu.vector_load %arg7[%parallel_loop3A_614, %parallel_loop3A_615, %parallel_loop3A_616, %parallel_loop3A_617] {strides = array<i32>} : memref<2x8x32x64xi32, #tpu.memory_space<vmem>>, vector<16xi32>,
          %parallel_loop3A_619 = vector.bitcast %parallel_loop3A_618 : vector<16xi32> to vector<16xi32>
          %parallel_loop3A_620 = arith.minui %parallel_loop3A_619, %broadcast_in_dim3A_127 : vector<16xi32>
          %parallel_loop3A_621 = vector.bitcast %parallel_loop3A_620 : vector<16xi32> to vector<16xi32>
          %parallel_loop3A_622 = tpu.vector_load_idx %arg6[%parallel_loop3A_621] : memref<8208xi32, #tpu.memory_space<vmem>>[vector<16xi32>], vector<16xi32>,
          %parallel_loop3A_623 = arith.addi %parallel_loop3A_609, %parallel_loop3A_622 : vector<16xi32>
          %parallel_loop3A_624 = arith.constant 16 : i32
          %parallel_loop3A_625 = arith.muli %scan3A_287, %parallel_loop3A_624 : i32
          %parallel_loop3A_626 = arith.constant 0 : i32
          %parallel_loop3A_627 = arith.constant 21 : i32
          %parallel_loop3A_628 = arith.index_cast %parallel_loop3A_626 : i32 to index
          %parallel_loop3A_629 = arith.index_cast %parallel_loop3A_305 : i32 to index
          %parallel_loop3A_630 = arith.index_cast %parallel_loop3A_627 : i32 to index
          %parallel_loop3A_631 = arith.index_cast %parallel_loop3A_625 : i32 to index
          %parallel_loop3A_632 = tpu.vector_load %arg7[%parallel_loop3A_628, %parallel_loop3A_629, %parallel_loop3A_630, %parallel_loop3A_631] {strides = array<i32>} : memref<2x8x32x64xi32, #tpu.memory_space<vmem>>, vector<16xi32>,
          %parallel_loop3A_633 = vector.bitcast %parallel_loop3A_632 : vector<16xi32> to vector<16xi32>
          %parallel_loop3A_634 = arith.minui %parallel_loop3A_633, %broadcast_in_dim3A_127 : vector<16xi32>
          %parallel_loop3A_635 = vector.bitcast %parallel_loop3A_634 : vector<16xi32> to vector<16xi32>
          %parallel_loop3A_636 = tpu.vector_load_idx %arg6[%parallel_loop3A_635] : memref<8208xi32, #tpu.memory_space<vmem>>[vector<16xi32>], vector<16xi32>,
          %parallel_loop3A_637 = arith.addi %parallel_loop3A_623, %parallel_loop3A_636 : vector<16xi32>
          %parallel_loop3A_638 = arith.constant 16 : i32
          %parallel_loop3A_639 = arith.muli %scan3A_287, %parallel_loop3A_638 : i32
          %parallel_loop3A_640 = arith.constant 0 : i32
          %parallel_loop3A_641 = arith.constant 22 : i32
          %parallel_loop3A_642 = arith.index_cast %parallel_loop3A_640 : i32 to index
          %parallel_loop3A_643 = arith.index_cast %parallel_loop3A_305 : i32 to index
          %parallel_loop3A_644 = arith.index_cast %parallel_loop3A_641 : i32 to index
          %parallel_loop3A_645 = arith.index_cast %parallel_loop3A_639 : i32 to index
          %parallel_loop3A_646 = tpu.vector_load %arg7[%parallel_loop3A_642, %parallel_loop3A_643, %parallel_loop3A_644, %parallel_loop3A_645] {strides = array<i32>} : memref<2x8x32x64xi32, #tpu.memory_space<vmem>>, vector<16xi32>,
          %parallel_loop3A_647 = vector.bitcast %parallel_loop3A_646 : vector<16xi32> to vector<16xi32>
          %parallel_loop3A_648 = arith.minui %parallel_loop3A_647, %broadcast_in_dim3A_127 : vector<16xi32>
          %parallel_loop3A_649 = vector.bitcast %parallel_loop3A_648 : vector<16xi32> to vector<16xi32>
          %parallel_loop3A_650 = tpu.vector_load_idx %arg6[%parallel_loop3A_649] : memref<8208xi32, #tpu.memory_space<vmem>>[vector<16xi32>], vector<16xi32>,
          %parallel_loop3A_651 = arith.addi %parallel_loop3A_637, %parallel_loop3A_650 : vector<16xi32>
          %parallel_loop3A_652 = arith.constant 16 : i32
          %parallel_loop3A_653 = arith.muli %scan3A_287, %parallel_loop3A_652 : i32
          %parallel_loop3A_654 = arith.constant 0 : i32
          %parallel_loop3A_655 = arith.constant 23 : i32
          %parallel_loop3A_656 = arith.index_cast %parallel_loop3A_654 : i32 to index
          %parallel_loop3A_657 = arith.index_cast %parallel_loop3A_305 : i32 to index
          %parallel_loop3A_658 = arith.index_cast %parallel_loop3A_655 : i32 to index
          %parallel_loop3A_659 = arith.index_cast %parallel_loop3A_653 : i32 to index
          %parallel_loop3A_660 = tpu.vector_load %arg7[%parallel_loop3A_656, %parallel_loop3A_657, %parallel_loop3A_658, %parallel_loop3A_659] {strides = array<i32>} : memref<2x8x32x64xi32, #tpu.memory_space<vmem>>, vector<16xi32>,
          %parallel_loop3A_661 = vector.bitcast %parallel_loop3A_660 : vector<16xi32> to vector<16xi32>
          %parallel_loop3A_662 = arith.minui %parallel_loop3A_661, %broadcast_in_dim3A_127 : vector<16xi32>
          %parallel_loop3A_663 = vector.bitcast %parallel_loop3A_662 : vector<16xi32> to vector<16xi32>
          %parallel_loop3A_664 = tpu.vector_load_idx %arg6[%parallel_loop3A_663] : memref<8208xi32, #tpu.memory_space<vmem>>[vector<16xi32>], vector<16xi32>,
          %parallel_loop3A_665 = arith.addi %parallel_loop3A_651, %parallel_loop3A_664 : vector<16xi32>
          %parallel_loop3A_666 = arith.constant 252645135 : i32
          %parallel_loop3A_667 = vector.broadcast %parallel_loop3A_666 : i32 to vector<16xi32>
          %parallel_loop3A_668 = arith.andi %parallel_loop3A_665, %parallel_loop3A_667 : vector<16xi32>
          %parallel_loop3A_669 = arith.addi %parallel_loop3A_546, %parallel_loop3A_668 : vector<16xi32>
          %parallel_loop3A_670 = arith.constant 4 : i32
          %parallel_loop3A_671 = vector.broadcast %parallel_loop3A_670 : i32 to vector<16xi32>
          %parallel_loop3A_672 = arith.shrsi %parallel_loop3A_665, %parallel_loop3A_671 : vector<16xi32>
          %parallel_loop3A_673 = arith.constant 252645135 : i32
          %parallel_loop3A_674 = vector.broadcast %parallel_loop3A_673 : i32 to vector<16xi32>
          %parallel_loop3A_675 = arith.andi %parallel_loop3A_672, %parallel_loop3A_674 : vector<16xi32>
          %parallel_loop3A_676 = arith.addi %parallel_loop3A_553, %parallel_loop3A_675 : vector<16xi32>
          %parallel_loop3A_677 = arith.constant 16 : i32
          %parallel_loop3A_678 = arith.muli %scan3A_287, %parallel_loop3A_677 : i32
          %parallel_loop3A_679 = arith.constant 0 : i32
          %parallel_loop3A_680 = arith.constant 24 : i32
          %parallel_loop3A_681 = arith.index_cast %parallel_loop3A_679 : i32 to index
          %parallel_loop3A_682 = arith.index_cast %parallel_loop3A_305 : i32 to index
          %parallel_loop3A_683 = arith.index_cast %parallel_loop3A_680 : i32 to index
          %parallel_loop3A_684 = arith.index_cast %parallel_loop3A_678 : i32 to index
          %parallel_loop3A_685 = tpu.vector_load %arg7[%parallel_loop3A_681, %parallel_loop3A_682, %parallel_loop3A_683, %parallel_loop3A_684] {strides = array<i32>} : memref<2x8x32x64xi32, #tpu.memory_space<vmem>>, vector<16xi32>,
          %parallel_loop3A_686 = vector.bitcast %parallel_loop3A_685 : vector<16xi32> to vector<16xi32>
          %parallel_loop3A_687 = arith.minui %parallel_loop3A_686, %broadcast_in_dim3A_127 : vector<16xi32>
          %parallel_loop3A_688 = vector.bitcast %parallel_loop3A_687 : vector<16xi32> to vector<16xi32>
          %parallel_loop3A_689 = tpu.vector_load_idx %arg6[%parallel_loop3A_688] : memref<8208xi32, #tpu.memory_space<vmem>>[vector<16xi32>], vector<16xi32>,
          %parallel_loop3A_690 = arith.addi %broadcast_in_dim3A_125, %parallel_loop3A_689 : vector<16xi32>
          %parallel_loop3A_691 = arith.constant 16 : i32
          %parallel_loop3A_692 = arith.muli %scan3A_287, %parallel_loop3A_691 : i32
          %parallel_loop3A_693 = arith.constant 0 : i32
          %parallel_loop3A_694 = arith.constant 25 : i32
          %parallel_loop3A_695 = arith.index_cast %parallel_loop3A_693 : i32 to index
          %parallel_loop3A_696 = arith.index_cast %parallel_loop3A_305 : i32 to index
          %parallel_loop3A_697 = arith.index_cast %parallel_loop3A_694 : i32 to index
          %parallel_loop3A_698 = arith.index_cast %parallel_loop3A_692 : i32 to index
          %parallel_loop3A_699 = tpu.vector_load %arg7[%parallel_loop3A_695, %parallel_loop3A_696, %parallel_loop3A_697, %parallel_loop3A_698] {strides = array<i32>} : memref<2x8x32x64xi32, #tpu.memory_space<vmem>>, vector<16xi32>,
          %parallel_loop3A_700 = vector.bitcast %parallel_loop3A_699 : vector<16xi32> to vector<16xi32>
          %parallel_loop3A_701 = arith.minui %parallel_loop3A_700, %broadcast_in_dim3A_127 : vector<16xi32>
          %parallel_loop3A_702 = vector.bitcast %parallel_loop3A_701 : vector<16xi32> to vector<16xi32>
          %parallel_loop3A_703 = tpu.vector_load_idx %arg6[%parallel_loop3A_702] : memref<8208xi32, #tpu.memory_space<vmem>>[vector<16xi32>], vector<16xi32>,
          %parallel_loop3A_704 = arith.addi %parallel_loop3A_690, %parallel_loop3A_703 : vector<16xi32>
          %parallel_loop3A_705 = arith.constant 16 : i32
          %parallel_loop3A_706 = arith.muli %scan3A_287, %parallel_loop3A_705 : i32
          %parallel_loop3A_707 = arith.constant 0 : i32
          %parallel_loop3A_708 = arith.constant 26 : i32
          %parallel_loop3A_709 = arith.index_cast %parallel_loop3A_707 : i32 to index
          %parallel_loop3A_710 = arith.index_cast %parallel_loop3A_305 : i32 to index
          %parallel_loop3A_711 = arith.index_cast %parallel_loop3A_708 : i32 to index
          %parallel_loop3A_712 = arith.index_cast %parallel_loop3A_706 : i32 to index
          %parallel_loop3A_713 = tpu.vector_load %arg7[%parallel_loop3A_709, %parallel_loop3A_710, %parallel_loop3A_711, %parallel_loop3A_712] {strides = array<i32>} : memref<2x8x32x64xi32, #tpu.memory_space<vmem>>, vector<16xi32>,
          %parallel_loop3A_714 = vector.bitcast %parallel_loop3A_713 : vector<16xi32> to vector<16xi32>
          %parallel_loop3A_715 = arith.minui %parallel_loop3A_714, %broadcast_in_dim3A_127 : vector<16xi32>
          %parallel_loop3A_716 = vector.bitcast %parallel_loop3A_715 : vector<16xi32> to vector<16xi32>
          %parallel_loop3A_717 = tpu.vector_load_idx %arg6[%parallel_loop3A_716] : memref<8208xi32, #tpu.memory_space<vmem>>[vector<16xi32>], vector<16xi32>,
          %parallel_loop3A_718 = arith.addi %parallel_loop3A_704, %parallel_loop3A_717 : vector<16xi32>
          %parallel_loop3A_719 = arith.constant 16 : i32
          %parallel_loop3A_720 = arith.muli %scan3A_287, %parallel_loop3A_719 : i32
          %parallel_loop3A_721 = arith.constant 0 : i32
          %parallel_loop3A_722 = arith.constant 27 : i32
          %parallel_loop3A_723 = arith.index_cast %parallel_loop3A_721 : i32 to index
          %parallel_loop3A_724 = arith.index_cast %parallel_loop3A_305 : i32 to index
          %parallel_loop3A_725 = arith.index_cast %parallel_loop3A_722 : i32 to index
          %parallel_loop3A_726 = arith.index_cast %parallel_loop3A_720 : i32 to index
          %parallel_loop3A_727 = tpu.vector_load %arg7[%parallel_loop3A_723, %parallel_loop3A_724, %parallel_loop3A_725, %parallel_loop3A_726] {strides = array<i32>} : memref<2x8x32x64xi32, #tpu.memory_space<vmem>>, vector<16xi32>,
          %parallel_loop3A_728 = vector.bitcast %parallel_loop3A_727 : vector<16xi32> to vector<16xi32>
          %parallel_loop3A_729 = arith.minui %parallel_loop3A_728, %broadcast_in_dim3A_127 : vector<16xi32>
          %parallel_loop3A_730 = vector.bitcast %parallel_loop3A_729 : vector<16xi32> to vector<16xi32>
          %parallel_loop3A_731 = tpu.vector_load_idx %arg6[%parallel_loop3A_730] : memref<8208xi32, #tpu.memory_space<vmem>>[vector<16xi32>], vector<16xi32>,
          %parallel_loop3A_732 = arith.addi %parallel_loop3A_718, %parallel_loop3A_731 : vector<16xi32>
          %parallel_loop3A_733 = arith.constant 16 : i32
          %parallel_loop3A_734 = arith.muli %scan3A_287, %parallel_loop3A_733 : i32
          %parallel_loop3A_735 = arith.constant 0 : i32
          %parallel_loop3A_736 = arith.constant 28 : i32
          %parallel_loop3A_737 = arith.index_cast %parallel_loop3A_735 : i32 to index
          %parallel_loop3A_738 = arith.index_cast %parallel_loop3A_305 : i32 to index
          %parallel_loop3A_739 = arith.index_cast %parallel_loop3A_736 : i32 to index
          %parallel_loop3A_740 = arith.index_cast %parallel_loop3A_734 : i32 to index
          %parallel_loop3A_741 = tpu.vector_load %arg7[%parallel_loop3A_737, %parallel_loop3A_738, %parallel_loop3A_739, %parallel_loop3A_740] {strides = array<i32>} : memref<2x8x32x64xi32, #tpu.memory_space<vmem>>, vector<16xi32>,
          %parallel_loop3A_742 = vector.bitcast %parallel_loop3A_741 : vector<16xi32> to vector<16xi32>
          %parallel_loop3A_743 = arith.minui %parallel_loop3A_742, %broadcast_in_dim3A_127 : vector<16xi32>
          %parallel_loop3A_744 = vector.bitcast %parallel_loop3A_743 : vector<16xi32> to vector<16xi32>
          %parallel_loop3A_745 = tpu.vector_load_idx %arg6[%parallel_loop3A_744] : memref<8208xi32, #tpu.memory_space<vmem>>[vector<16xi32>], vector<16xi32>,
          %parallel_loop3A_746 = arith.addi %parallel_loop3A_732, %parallel_loop3A_745 : vector<16xi32>
          %parallel_loop3A_747 = arith.constant 16 : i32
          %parallel_loop3A_748 = arith.muli %scan3A_287, %parallel_loop3A_747 : i32
          %parallel_loop3A_749 = arith.constant 0 : i32
          %parallel_loop3A_750 = arith.constant 29 : i32
          %parallel_loop3A_751 = arith.index_cast %parallel_loop3A_749 : i32 to index
          %parallel_loop3A_752 = arith.index_cast %parallel_loop3A_305 : i32 to index
          %parallel_loop3A_753 = arith.index_cast %parallel_loop3A_750 : i32 to index
          %parallel_loop3A_754 = arith.index_cast %parallel_loop3A_748 : i32 to index
          %parallel_loop3A_755 = tpu.vector_load %arg7[%parallel_loop3A_751, %parallel_loop3A_752, %parallel_loop3A_753, %parallel_loop3A_754] {strides = array<i32>} : memref<2x8x32x64xi32, #tpu.memory_space<vmem>>, vector<16xi32>,
          %parallel_loop3A_756 = vector.bitcast %parallel_loop3A_755 : vector<16xi32> to vector<16xi32>
          %parallel_loop3A_757 = arith.minui %parallel_loop3A_756, %broadcast_in_dim3A_127 : vector<16xi32>
          %parallel_loop3A_758 = vector.bitcast %parallel_loop3A_757 : vector<16xi32> to vector<16xi32>
          %parallel_loop3A_759 = tpu.vector_load_idx %arg6[%parallel_loop3A_758] : memref<8208xi32, #tpu.memory_space<vmem>>[vector<16xi32>], vector<16xi32>,
          %parallel_loop3A_760 = arith.addi %parallel_loop3A_746, %parallel_loop3A_759 : vector<16xi32>
          %parallel_loop3A_761 = arith.constant 16 : i32
          %parallel_loop3A_762 = arith.muli %scan3A_287, %parallel_loop3A_761 : i32
          %parallel_loop3A_763 = arith.constant 0 : i32
          %parallel_loop3A_764 = arith.constant 30 : i32
          %parallel_loop3A_765 = arith.index_cast %parallel_loop3A_763 : i32 to index
          %parallel_loop3A_766 = arith.index_cast %parallel_loop3A_305 : i32 to index
          %parallel_loop3A_767 = arith.index_cast %parallel_loop3A_764 : i32 to index
          %parallel_loop3A_768 = arith.index_cast %parallel_loop3A_762 : i32 to index
          %parallel_loop3A_769 = tpu.vector_load %arg7[%parallel_loop3A_765, %parallel_loop3A_766, %parallel_loop3A_767, %parallel_loop3A_768] {strides = array<i32>} : memref<2x8x32x64xi32, #tpu.memory_space<vmem>>, vector<16xi32>,
          %parallel_loop3A_770 = vector.bitcast %parallel_loop3A_769 : vector<16xi32> to vector<16xi32>
          %parallel_loop3A_771 = arith.minui %parallel_loop3A_770, %broadcast_in_dim3A_127 : vector<16xi32>
          %parallel_loop3A_772 = vector.bitcast %parallel_loop3A_771 : vector<16xi32> to vector<16xi32>
          %parallel_loop3A_773 = tpu.vector_load_idx %arg6[%parallel_loop3A_772] : memref<8208xi32, #tpu.memory_space<vmem>>[vector<16xi32>], vector<16xi32>,
          %parallel_loop3A_774 = arith.addi %parallel_loop3A_760, %parallel_loop3A_773 : vector<16xi32>
          %parallel_loop3A_775 = arith.constant 16 : i32
          %parallel_loop3A_776 = arith.muli %scan3A_287, %parallel_loop3A_775 : i32
          %parallel_loop3A_777 = arith.constant 0 : i32
          %parallel_loop3A_778 = arith.constant 31 : i32
          %parallel_loop3A_779 = arith.index_cast %parallel_loop3A_777 : i32 to index
          %parallel_loop3A_780 = arith.index_cast %parallel_loop3A_305 : i32 to index
          %parallel_loop3A_781 = arith.index_cast %parallel_loop3A_778 : i32 to index
          %parallel_loop3A_782 = arith.index_cast %parallel_loop3A_776 : i32 to index
          %parallel_loop3A_783 = tpu.vector_load %arg7[%parallel_loop3A_779, %parallel_loop3A_780, %parallel_loop3A_781, %parallel_loop3A_782] {strides = array<i32>} : memref<2x8x32x64xi32, #tpu.memory_space<vmem>>, vector<16xi32>,
          %parallel_loop3A_784 = vector.bitcast %parallel_loop3A_783 : vector<16xi32> to vector<16xi32>
          %parallel_loop3A_785 = arith.minui %parallel_loop3A_784, %broadcast_in_dim3A_127 : vector<16xi32>
          %parallel_loop3A_786 = vector.bitcast %parallel_loop3A_785 : vector<16xi32> to vector<16xi32>
          %parallel_loop3A_787 = tpu.vector_load_idx %arg6[%parallel_loop3A_786] : memref<8208xi32, #tpu.memory_space<vmem>>[vector<16xi32>], vector<16xi32>,
          %parallel_loop3A_788 = arith.addi %parallel_loop3A_774, %parallel_loop3A_787 : vector<16xi32>
          %parallel_loop3A_789 = arith.constant 252645135 : i32
          %parallel_loop3A_790 = vector.broadcast %parallel_loop3A_789 : i32 to vector<16xi32>
          %parallel_loop3A_791 = arith.andi %parallel_loop3A_788, %parallel_loop3A_790 : vector<16xi32>
          %parallel_loop3A_792 = arith.addi %parallel_loop3A_669, %parallel_loop3A_791 : vector<16xi32>
          %parallel_loop3A_793 = arith.constant 4 : i32
          %parallel_loop3A_794 = vector.broadcast %parallel_loop3A_793 : i32 to vector<16xi32>
          %parallel_loop3A_795 = arith.shrsi %parallel_loop3A_788, %parallel_loop3A_794 : vector<16xi32>
          %parallel_loop3A_796 = arith.constant 252645135 : i32
          %parallel_loop3A_797 = vector.broadcast %parallel_loop3A_796 : i32 to vector<16xi32>
          %parallel_loop3A_798 = arith.andi %parallel_loop3A_795, %parallel_loop3A_797 : vector<16xi32>
          %parallel_loop3A_799 = arith.addi %parallel_loop3A_676, %parallel_loop3A_798 : vector<16xi32>
          %parallel_loop3A_800 = arith.constant 2021161080 : i32
          %parallel_loop3A_801 = vector.broadcast %parallel_loop3A_800 : i32 to vector<16xi32>
          %parallel_loop3A_802 = arith.addi %parallel_loop3A_792, %parallel_loop3A_801 : vector<16xi32>
          %parallel_loop3A_803 = arith.constant 7 : i32
          %parallel_loop3A_804 = vector.broadcast %parallel_loop3A_803 : i32 to vector<16xi32>
          %parallel_loop3A_805 = arith.shrsi %parallel_loop3A_802, %parallel_loop3A_804 : vector<16xi32>
          %parallel_loop3A_806 = arith.constant 16843009 : i32
          %parallel_loop3A_807 = vector.broadcast %parallel_loop3A_806 : i32 to vector<16xi32>
          %parallel_loop3A_808 = arith.andi %parallel_loop3A_805, %parallel_loop3A_807 : vector<16xi32>
          %parallel_loop3A_809 = arith.addi %parallel_loop3A_306, %parallel_loop3A_808 : vector<16xi32>
          %parallel_loop3A_810 = arith.constant 2021161080 : i32
          %parallel_loop3A_811 = vector.broadcast %parallel_loop3A_810 : i32 to vector<16xi32>
          %parallel_loop3A_812 = arith.addi %parallel_loop3A_799, %parallel_loop3A_811 : vector<16xi32>
          %parallel_loop3A_813 = arith.constant 7 : i32
          %parallel_loop3A_814 = vector.broadcast %parallel_loop3A_813 : i32 to vector<16xi32>
          %parallel_loop3A_815 = arith.shrsi %parallel_loop3A_812, %parallel_loop3A_814 : vector<16xi32>
          %parallel_loop3A_816 = arith.constant 16843009 : i32
          %parallel_loop3A_817 = vector.broadcast %parallel_loop3A_816 : i32 to vector<16xi32>
          %parallel_loop3A_818 = arith.andi %parallel_loop3A_815, %parallel_loop3A_817 : vector<16xi32>
          %parallel_loop3A_819 = arith.addi %parallel_loop3A_307, %parallel_loop3A_818 : vector<16xi32>
          scf.yield %parallel_loop3A_809, %parallel_loop3A_819 : vector<16xi32>, vector<16xi32>
        } {sc.loop_unroll_factor = 1 : i64, sc.parallel_access}
        %mul3A_292 = arith.constant 16 : i32
        %mul3A_293 = arith.muli %scan3A_287, %mul3A_292 : i32
        %swap3A_294 = arith.constant 0 : i32
        %swap3A_295 = arith.index_cast %swap3A_294 : i32 to index
        %swap3A_296 = arith.index_cast %mul3A_293 : i32 to index
        %swap3A_297 = tpu.vector_load %arg8[%swap3A_295, %swap3A_296] {strides = array<i32>} : memref<2x64xi32, #tpu.memory_space<vmem>>, vector<16xi32>,
        tpu.vector_store %arg8[%swap3A_295, %swap3A_296], %parallel_loop3A_291#0 {strides = array<i32>} : memref<2x64xi32, #tpu.memory_space<vmem>>, vector<16xi32>,
        %mul3A_298 = arith.constant 16 : i32
        %mul3A_299 = arith.muli %scan3A_287, %mul3A_298 : i32
        %swap3A_300 = arith.constant 1 : i32
        %swap3A_301 = arith.index_cast %swap3A_300 : i32 to index
        %swap3A_302 = arith.index_cast %mul3A_299 : i32 to index
        %swap3A_303 = tpu.vector_load %arg8[%swap3A_301, %swap3A_302] {strides = array<i32>} : memref<2x64xi32, #tpu.memory_space<vmem>>, vector<16xi32>,
        tpu.vector_store %arg8[%swap3A_301, %swap3A_302], %parallel_loop3A_291#1 {strides = array<i32>} : memref<2x64xi32, #tpu.memory_space<vmem>>, vector<16xi32>,
        %scan3A_304 = arith.constant 0 : i32
        scf.yield %scan3A_304 : i32
      }
      %scan3A_205 = arith.constant 4 : i32
      %add3A_206 = arith.constant 1 : i32
      %add3A_207 = arith.addi %scan3A_136, %add3A_206 : i32
      %lt3A_208 = arith.constant 4 : i32
      %lt3A_209 = arith.cmpi slt, %add3A_207, %lt3A_208 : i32
      %convert_element_type3A = arith.extui %lt3A_209 : i1 to i32
      %cond3A = arith.constant 0 : i32
      %cond3A_210 = arith.cmpi ne, %convert_element_type3A, %cond3A : i32
      scf.if %cond3A_210 {
        %add3A_287 = arith.constant 1 : i32
        %add3A_288 = arith.addi %scan3A_136, %add3A_287 : i32
        %add3A_289 = arith.addi %mul3A_2, %add3A_288 : i32
        %jit3A_290 = arith.constant 8 : i32
        %div3A_291 = arith.divsi %add3A_289, %jit3A_290 : i32
        %sign3A_292 = arith.constant 0 : i32
        %sign3A_293 = arith.cmpi sgt, %add3A_289, %sign3A_292 : i32
        %sign3A_294 = arith.extui %sign3A_293 : i1 to i32
        %sign3A_295 = arith.constant 0 : i32
        %sign3A_296 = arith.cmpi slt, %add3A_289, %sign3A_295 : i32
        %sign3A_297 = arith.extui %sign3A_296 : i1 to i32
        %sign3A_298 = arith.subi %sign3A_294, %sign3A_297 : i32
        %sign3A_299 = arith.constant 0 : i32
        %sign3A_300 = arith.cmpi sgt, %jit3A_290, %sign3A_299 : i32
        %sign3A_301 = arith.extui %sign3A_300 : i1 to i32
        %sign3A_302 = arith.constant 0 : i32
        %sign3A_303 = arith.cmpi slt, %jit3A_290, %sign3A_302 : i32
        %sign3A_304 = arith.extui %sign3A_303 : i1 to i32
        %sign3A_305 = arith.subi %sign3A_301, %sign3A_304 : i32
        %ne3A_306 = arith.cmpi ne, %sign3A_298, %sign3A_305 : i32
        %rem3A_307 = arith.remsi %add3A_289, %jit3A_290 : i32
        %ne3A_308 = arith.constant 0 : i32
        %ne3A_309 = arith.cmpi ne, %rem3A_307, %ne3A_308 : i32
        %and3A_310 = arith.andi %ne3A_306, %ne3A_309 : i1
        %sub3A_311 = arith.constant 1 : i32
        %sub3A_312 = arith.subi %div3A_291, %sub3A_311 : i32
        %select_n3A_313 = arith.select %and3A_310, %sub3A_312, %div3A_291 : i32
        %jit3A_314 = arith.constant 8 : i32
        %eq3A_315 = arith.constant 0 : i32
        %eq3A_316 = arith.cmpi eq, %jit3A_314, %eq3A_315 : i32
        %jit3A_317 = arith.constant 1 : i32
        %select_n3A_318 = arith.select %eq3A_316, %jit3A_317, %jit3A_314 : i32
        %rem3A_319 = arith.remsi %add3A_289, %select_n3A_318 : i32
        %ne3A_320 = arith.constant 0 : i32
        %ne3A_321 = arith.cmpi ne, %rem3A_319, %ne3A_320 : i32
        %lt3A_322 = arith.constant 0 : i32
        %lt3A_323 = arith.cmpi slt, %rem3A_319, %lt3A_322 : i32
        %lt3A_324 = arith.constant 0 : i32
        %lt3A_325 = arith.cmpi slt, %select_n3A_318, %lt3A_324 : i32
        %ne3A_326 = arith.xori %lt3A_323, %lt3A_325 : i1
        %and3A_327 = arith.andi %ne3A_326, %ne3A_321 : i1
        %add3A_328 = arith.addi %rem3A_319, %select_n3A_318 : i32
        %select_n3A_329 = arith.select %and3A_327, %add3A_328, %rem3A_319 : i32
        %dma_start3A_330 = arith.constant 0 : i32
        %dma_start3A_331 = arith.constant 0 : i32
        %dma_start3A_332 = arith.constant 0 : i32
        %dma_start3A_333 = arith.constant 0 : i32
        %dma_start3A_334 = tpu.memref_slice %arg7[%dma_start3A_330, %dma_start3A_331, %dma_start3A_332, %dma_start3A_333] : memref<2x8x32x64xi32, #tpu.memory_space<vmem>> -> memref<1x8x32x64xi32, #tpu.memory_space<vmem>>
        %dma_start3A_335 = tpu.memref_squeeze %dma_start3A_334 : memref<1x8x32x64xi32, #tpu.memory_space<vmem>> -> memref<8x32x64xi32, #tpu.memory_space<vmem>>
        %dma_start3A_336 = arith.constant 0 : i32
        %dma_start3A_337 = arith.constant 0 : i32
        %dma_start3A_338 = arith.constant 0 : i32
        %dma_start3A_339 = tpu.memref_slice %arg3[%select_n3A_313, %select_n3A_329, %dma_start3A_336, %dma_start3A_337, %dma_start3A_338] : memref<16x8x16x32x64xi32, #tpu.memory_space<hbm>> -> memref<1x1x8x32x64xi32, #tpu.memory_space<hbm>>
        %dma_start3A_340 = tpu.memref_squeeze %dma_start3A_339 : memref<1x1x8x32x64xi32, #tpu.memory_space<hbm>> -> memref<8x32x64xi32, #tpu.memory_space<hbm>>
        %dma_start3A_341 = arith.constant 0 : i32
        %dma_start3A_342 = arith.constant 0 : i32
        %dma_start3A_343 = arith.constant 0 : i32
        %dma_start3A_344 = tpu.memref_slice %arg7[%dma_start3A_330, %dma_start3A_341, %dma_start3A_342, %dma_start3A_343] : memref<2x8x32x64xi32, #tpu.memory_space<vmem>> -> memref<1x8x32x64xi32, #tpu.memory_space<vmem>>
        %dma_start3A_345 = tpu.memref_squeeze %dma_start3A_344 : memref<1x8x32x64xi32, #tpu.memory_space<vmem>> -> memref<8x32x64xi32, #tpu.memory_space<vmem>>
        %dma_start3A_346 = arith.constant 0 : i32
        %dma_start3A_347 = arith.constant 0 : i32
        %dma_start3A_348 = arith.constant 0 : i32
        %dma_start3A_349 = tpu.memref_slice %arg3[%select_n3A_313, %select_n3A_329, %dma_start3A_346, %dma_start3A_347, %dma_start3A_348] : memref<16x8x16x32x64xi32, #tpu.memory_space<hbm>> -> memref<1x1x8x32x64xi32, #tpu.memory_space<hbm>>
        %dma_start3A_350 = tpu.memref_squeeze %dma_start3A_349 : memref<1x1x8x32x64xi32, #tpu.memory_space<hbm>> -> memref<8x32x64xi32, #tpu.memory_space<hbm>>
        tpu.enqueue_dma source(%dma_start3A_350 : memref<8x32x64xi32, #tpu.memory_space<hbm>>) target(%dma_start3A_345 : memref<8x32x64xi32, #tpu.memory_space<vmem>>) target_semaphore(%arg12 : memref<!tpu.dma_semaphore, #tpu.memory_space<semaphore_mem>>)
      } else {
      }
      %add3A_211 = arith.addi %mul3A_2, %scan3A_136 : i32
      %jit3A_212 = arith.constant 8 : i32
      %div3A_213 = arith.divsi %add3A_211, %jit3A_212 : i32
      %sign3A_214 = arith.constant 0 : i32
      %sign3A_215 = arith.cmpi sgt, %add3A_211, %sign3A_214 : i32
      %sign3A_216 = arith.extui %sign3A_215 : i1 to i32
      %sign3A_217 = arith.constant 0 : i32
      %sign3A_218 = arith.cmpi slt, %add3A_211, %sign3A_217 : i32
      %sign3A_219 = arith.extui %sign3A_218 : i1 to i32
      %sign3A_220 = arith.subi %sign3A_216, %sign3A_219 : i32
      %sign3A_221 = arith.constant 0 : i32
      %sign3A_222 = arith.cmpi sgt, %jit3A_212, %sign3A_221 : i32
      %sign3A_223 = arith.extui %sign3A_222 : i1 to i32
      %sign3A_224 = arith.constant 0 : i32
      %sign3A_225 = arith.cmpi slt, %jit3A_212, %sign3A_224 : i32
      %sign3A_226 = arith.extui %sign3A_225 : i1 to i32
      %sign3A_227 = arith.subi %sign3A_223, %sign3A_226 : i32
      %ne3A_228 = arith.cmpi ne, %sign3A_220, %sign3A_227 : i32
      %rem3A_229 = arith.remsi %add3A_211, %jit3A_212 : i32
      %ne3A_230 = arith.constant 0 : i32
      %ne3A_231 = arith.cmpi ne, %rem3A_229, %ne3A_230 : i32
      %and3A_232 = arith.andi %ne3A_228, %ne3A_231 : i1
      %sub3A_233 = arith.constant 1 : i32
      %sub3A_234 = arith.subi %div3A_213, %sub3A_233 : i32
      %select_n3A_235 = arith.select %and3A_232, %sub3A_234, %div3A_213 : i32
      %jit3A_236 = arith.constant 8 : i32
      %eq3A_237 = arith.constant 0 : i32
      %eq3A_238 = arith.cmpi eq, %jit3A_236, %eq3A_237 : i32
      %jit3A_239 = arith.constant 1 : i32
      %select_n3A_240 = arith.select %eq3A_238, %jit3A_239, %jit3A_236 : i32
      %rem3A_241 = arith.remsi %add3A_211, %select_n3A_240 : i32
      %ne3A_242 = arith.constant 0 : i32
      %ne3A_243 = arith.cmpi ne, %rem3A_241, %ne3A_242 : i32
      %lt3A_244 = arith.constant 0 : i32
      %lt3A_245 = arith.cmpi slt, %rem3A_241, %lt3A_244 : i32
      %lt3A_246 = arith.constant 0 : i32
      %lt3A_247 = arith.cmpi slt, %select_n3A_240, %lt3A_246 : i32
      %ne3A_248 = arith.xori %lt3A_245, %lt3A_247 : i1
      %and3A_249 = arith.andi %ne3A_248, %ne3A_243 : i1
      %add3A_250 = arith.addi %rem3A_241, %select_n3A_240 : i32
      %select_n3A_251 = arith.select %and3A_249, %add3A_250, %rem3A_241 : i32
      %dma_wait3A_252 = arith.constant 1 : i32
      %dma_wait3A_253 = arith.constant 0 : i32
      %dma_wait3A_254 = arith.constant 0 : i32
      %dma_wait3A_255 = arith.constant 0 : i32
      %dma_wait3A_256 = tpu.memref_slice %arg7[%dma_wait3A_252, %dma_wait3A_253, %dma_wait3A_254, %dma_wait3A_255] : memref<2x8x32x64xi32, #tpu.memory_space<vmem>> -> memref<1x8x32x64xi32, #tpu.memory_space<vmem>>
      %dma_wait3A_257 = tpu.memref_squeeze %dma_wait3A_256 : memref<1x8x32x64xi32, #tpu.memory_space<vmem>> -> memref<8x32x64xi32, #tpu.memory_space<vmem>>
      %dma_wait3A_258 = arith.constant 8 : i32
      %dma_wait3A_259 = arith.constant 0 : i32
      %dma_wait3A_260 = arith.constant 0 : i32
      %dma_wait3A_261 = tpu.memref_slice %arg3[%select_n3A_235, %select_n3A_251, %dma_wait3A_258, %dma_wait3A_259, %dma_wait3A_260] : memref<16x8x16x32x64xi32, #tpu.memory_space<hbm>> -> memref<1x1x8x32x64xi32, #tpu.memory_space<hbm>>
      %dma_wait3A_262 = tpu.memref_squeeze %dma_wait3A_261 : memref<1x1x8x32x64xi32, #tpu.memory_space<hbm>> -> memref<8x32x64xi32, #tpu.memory_space<hbm>>
      %dma_wait3A_263 = arith.constant 0 : i32
      %dma_wait3A_264 = arith.constant 0 : i32
      %dma_wait3A_265 = arith.constant 0 : i32
      %dma_wait3A_266 = tpu.memref_slice %arg7[%dma_wait3A_252, %dma_wait3A_263, %dma_wait3A_264, %dma_wait3A_265] : memref<2x8x32x64xi32, #tpu.memory_space<vmem>> -> memref<1x8x32x64xi32, #tpu.memory_space<vmem>>
      %dma_wait3A_267 = tpu.memref_squeeze %dma_wait3A_266 : memref<1x8x32x64xi32, #tpu.memory_space<vmem>> -> memref<8x32x64xi32, #tpu.memory_space<vmem>>
      %dma_wait3A_268 = arith.constant 8 : i32
      %dma_wait3A_269 = arith.constant 0 : i32
      %dma_wait3A_270 = arith.constant 0 : i32
      %dma_wait3A_271 = tpu.memref_slice %arg3[%select_n3A_235, %select_n3A_251, %dma_wait3A_268, %dma_wait3A_269, %dma_wait3A_270] : memref<16x8x16x32x64xi32, #tpu.memory_space<hbm>> -> memref<1x1x8x32x64xi32, #tpu.memory_space<hbm>>
      %dma_wait3A_272 = tpu.memref_squeeze %dma_wait3A_271 : memref<1x1x8x32x64xi32, #tpu.memory_space<hbm>> -> memref<8x32x64xi32, #tpu.memory_space<hbm>>
      tpu.wait_dma2 semaphore(%arg13 : memref<!tpu.dma_semaphore, #tpu.memory_space<semaphore_mem>>) src(%dma_wait3A_272 : memref<8x32x64xi32, #tpu.memory_space<hbm>>) dst(%dma_wait3A_267 : memref<8x32x64xi32, #tpu.memory_space<vmem>>)
      %scan3A_273 = arith.constant 0 : i32
      %scan3A_274 = arith.constant 0 : i32
      %scan3A_275 = arith.constant 4 : i32
      %scan3A_276 = arith.addi %scan3A_274, %scan3A_275 : i32
      %scan3A_277 = arith.constant 1 : i32
      %scan3A_278 = scf.for %scan3A_287 = %scan3A_274 to %scan3A_276 step %scan3A_277 iter_args(%scan3A_288 = %scan3A_273) -> (i32)  : i32 {
        %mul3A_289 = arith.constant 16 : i32
        %mul3A_290 = arith.muli %scan3A_287, %mul3A_289 : i32
        %get3A = arith.constant 0 : i32
        %get3A_291 = arith.index_cast %get3A : i32 to index
        %get3A_292 = arith.index_cast %mul3A_290 : i32 to index
        %get3A_293 = tpu.vector_load %arg8[%get3A_291, %get3A_292] {strides = array<i32>} : memref<2x64xi32, #tpu.memory_space<vmem>>, vector<16xi32>,
        %mul3A_294 = arith.constant 16 : i32
        %mul3A_295 = arith.muli %scan3A_287, %mul3A_294 : i32
        %get3A_296 = arith.constant 1 : i32
        %get3A_297 = arith.index_cast %get3A_296 : i32 to index
        %get3A_298 = arith.index_cast %mul3A_295 : i32 to index
        %get3A_299 = tpu.vector_load %arg8[%get3A_297, %get3A_298] {strides = array<i32>} : memref<2x64xi32, #tpu.memory_space<vmem>>, vector<16xi32>,
        %parallel_loop3A = arith.constant 0 : i32
        %parallel_loop3A_300 = arith.constant 8 : i32
        %parallel_loop3A_301 = arith.constant 1 : i32
        %parallel_loop3A_302:2 = scf.for %parallel_loop3A_330 = %parallel_loop3A to %parallel_loop3A_300 step %parallel_loop3A_301 iter_args(%parallel_loop3A_331 = %get3A_293, %parallel_loop3A_332 = %get3A_299) -> (vector<16xi32>, vector<16xi32>)  : i32 {
          %parallel_loop3A_333 = arith.constant 16 : i32
          %parallel_loop3A_334 = arith.muli %scan3A_287, %parallel_loop3A_333 : i32
          %parallel_loop3A_335 = arith.constant 1 : i32
          %parallel_loop3A_336 = arith.constant 0 : i32
          %parallel_loop3A_337 = arith.index_cast %parallel_loop3A_335 : i32 to index
          %parallel_loop3A_338 = arith.index_cast %parallel_loop3A_330 : i32 to index
          %parallel_loop3A_339 = arith.index_cast %parallel_loop3A_336 : i32 to index
          %parallel_loop3A_340 = arith.index_cast %parallel_loop3A_334 : i32 to index
          %parallel_loop3A_341 = tpu.vector_load %arg7[%parallel_loop3A_337, %parallel_loop3A_338, %parallel_loop3A_339, %parallel_loop3A_340] {strides = array<i32>} : memref<2x8x32x64xi32, #tpu.memory_space<vmem>>, vector<16xi32>,
          %parallel_loop3A_342 = vector.bitcast %parallel_loop3A_341 : vector<16xi32> to vector<16xi32>
          %parallel_loop3A_343 = arith.minui %parallel_loop3A_342, %broadcast_in_dim3A_127 : vector<16xi32>
          %parallel_loop3A_344 = vector.bitcast %parallel_loop3A_343 : vector<16xi32> to vector<16xi32>
          %parallel_loop3A_345 = tpu.vector_load_idx %arg6[%parallel_loop3A_344] : memref<8208xi32, #tpu.memory_space<vmem>>[vector<16xi32>], vector<16xi32>,
          %parallel_loop3A_346 = arith.addi %broadcast_in_dim3A_125, %parallel_loop3A_345 : vector<16xi32>
          %parallel_loop3A_347 = arith.constant 16 : i32
          %parallel_loop3A_348 = arith.muli %scan3A_287, %parallel_loop3A_347 : i32
          %parallel_loop3A_349 = arith.constant 1 : i32
          %parallel_loop3A_350 = arith.constant 1 : i32
          %parallel_loop3A_351 = arith.index_cast %parallel_loop3A_349 : i32 to index
          %parallel_loop3A_352 = arith.index_cast %parallel_loop3A_330 : i32 to index
          %parallel_loop3A_353 = arith.index_cast %parallel_loop3A_350 : i32 to index
          %parallel_loop3A_354 = arith.index_cast %parallel_loop3A_348 : i32 to index
          %parallel_loop3A_355 = tpu.vector_load %arg7[%parallel_loop3A_351, %parallel_loop3A_352, %parallel_loop3A_353, %parallel_loop3A_354] {strides = array<i32>} : memref<2x8x32x64xi32, #tpu.memory_space<vmem>>, vector<16xi32>,
          %parallel_loop3A_356 = vector.bitcast %parallel_loop3A_355 : vector<16xi32> to vector<16xi32>
          %parallel_loop3A_357 = arith.minui %parallel_loop3A_356, %broadcast_in_dim3A_127 : vector<16xi32>
          %parallel_loop3A_358 = vector.bitcast %parallel_loop3A_357 : vector<16xi32> to vector<16xi32>
          %parallel_loop3A_359 = tpu.vector_load_idx %arg6[%parallel_loop3A_358] : memref<8208xi32, #tpu.memory_space<vmem>>[vector<16xi32>], vector<16xi32>,
          %parallel_loop3A_360 = arith.addi %parallel_loop3A_346, %parallel_loop3A_359 : vector<16xi32>
          %parallel_loop3A_361 = arith.constant 16 : i32
          %parallel_loop3A_362 = arith.muli %scan3A_287, %parallel_loop3A_361 : i32
          %parallel_loop3A_363 = arith.constant 1 : i32
          %parallel_loop3A_364 = arith.constant 2 : i32
          %parallel_loop3A_365 = arith.index_cast %parallel_loop3A_363 : i32 to index
          %parallel_loop3A_366 = arith.index_cast %parallel_loop3A_330 : i32 to index
          %parallel_loop3A_367 = arith.index_cast %parallel_loop3A_364 : i32 to index
          %parallel_loop3A_368 = arith.index_cast %parallel_loop3A_362 : i32 to index
          %parallel_loop3A_369 = tpu.vector_load %arg7[%parallel_loop3A_365, %parallel_loop3A_366, %parallel_loop3A_367, %parallel_loop3A_368] {strides = array<i32>} : memref<2x8x32x64xi32, #tpu.memory_space<vmem>>, vector<16xi32>,
          %parallel_loop3A_370 = vector.bitcast %parallel_loop3A_369 : vector<16xi32> to vector<16xi32>
          %parallel_loop3A_371 = arith.minui %parallel_loop3A_370, %broadcast_in_dim3A_127 : vector<16xi32>
          %parallel_loop3A_372 = vector.bitcast %parallel_loop3A_371 : vector<16xi32> to vector<16xi32>
          %parallel_loop3A_373 = tpu.vector_load_idx %arg6[%parallel_loop3A_372] : memref<8208xi32, #tpu.memory_space<vmem>>[vector<16xi32>], vector<16xi32>,
          %parallel_loop3A_374 = arith.addi %parallel_loop3A_360, %parallel_loop3A_373 : vector<16xi32>
          %parallel_loop3A_375 = arith.constant 16 : i32
          %parallel_loop3A_376 = arith.muli %scan3A_287, %parallel_loop3A_375 : i32
          %parallel_loop3A_377 = arith.constant 1 : i32
          %parallel_loop3A_378 = arith.constant 3 : i32
          %parallel_loop3A_379 = arith.index_cast %parallel_loop3A_377 : i32 to index
          %parallel_loop3A_380 = arith.index_cast %parallel_loop3A_330 : i32 to index
          %parallel_loop3A_381 = arith.index_cast %parallel_loop3A_378 : i32 to index
          %parallel_loop3A_382 = arith.index_cast %parallel_loop3A_376 : i32 to index
          %parallel_loop3A_383 = tpu.vector_load %arg7[%parallel_loop3A_379, %parallel_loop3A_380, %parallel_loop3A_381, %parallel_loop3A_382] {strides = array<i32>} : memref<2x8x32x64xi32, #tpu.memory_space<vmem>>, vector<16xi32>,
          %parallel_loop3A_384 = vector.bitcast %parallel_loop3A_383 : vector<16xi32> to vector<16xi32>
          %parallel_loop3A_385 = arith.minui %parallel_loop3A_384, %broadcast_in_dim3A_127 : vector<16xi32>
          %parallel_loop3A_386 = vector.bitcast %parallel_loop3A_385 : vector<16xi32> to vector<16xi32>
          %parallel_loop3A_387 = tpu.vector_load_idx %arg6[%parallel_loop3A_386] : memref<8208xi32, #tpu.memory_space<vmem>>[vector<16xi32>], vector<16xi32>,
          %parallel_loop3A_388 = arith.addi %parallel_loop3A_374, %parallel_loop3A_387 : vector<16xi32>
          %parallel_loop3A_389 = arith.constant 16 : i32
          %parallel_loop3A_390 = arith.muli %scan3A_287, %parallel_loop3A_389 : i32
          %parallel_loop3A_391 = arith.constant 1 : i32
          %parallel_loop3A_392 = arith.constant 4 : i32
          %parallel_loop3A_393 = arith.index_cast %parallel_loop3A_391 : i32 to index
          %parallel_loop3A_394 = arith.index_cast %parallel_loop3A_330 : i32 to index
          %parallel_loop3A_395 = arith.index_cast %parallel_loop3A_392 : i32 to index
          %parallel_loop3A_396 = arith.index_cast %parallel_loop3A_390 : i32 to index
          %parallel_loop3A_397 = tpu.vector_load %arg7[%parallel_loop3A_393, %parallel_loop3A_394, %parallel_loop3A_395, %parallel_loop3A_396] {strides = array<i32>} : memref<2x8x32x64xi32, #tpu.memory_space<vmem>>, vector<16xi32>,
          %parallel_loop3A_398 = vector.bitcast %parallel_loop3A_397 : vector<16xi32> to vector<16xi32>
          %parallel_loop3A_399 = arith.minui %parallel_loop3A_398, %broadcast_in_dim3A_127 : vector<16xi32>
          %parallel_loop3A_400 = vector.bitcast %parallel_loop3A_399 : vector<16xi32> to vector<16xi32>
          %parallel_loop3A_401 = tpu.vector_load_idx %arg6[%parallel_loop3A_400] : memref<8208xi32, #tpu.memory_space<vmem>>[vector<16xi32>], vector<16xi32>,
          %parallel_loop3A_402 = arith.addi %parallel_loop3A_388, %parallel_loop3A_401 : vector<16xi32>
          %parallel_loop3A_403 = arith.constant 16 : i32
          %parallel_loop3A_404 = arith.muli %scan3A_287, %parallel_loop3A_403 : i32
          %parallel_loop3A_405 = arith.constant 1 : i32
          %parallel_loop3A_406 = arith.constant 5 : i32
          %parallel_loop3A_407 = arith.index_cast %parallel_loop3A_405 : i32 to index
          %parallel_loop3A_408 = arith.index_cast %parallel_loop3A_330 : i32 to index
          %parallel_loop3A_409 = arith.index_cast %parallel_loop3A_406 : i32 to index
          %parallel_loop3A_410 = arith.index_cast %parallel_loop3A_404 : i32 to index
          %parallel_loop3A_411 = tpu.vector_load %arg7[%parallel_loop3A_407, %parallel_loop3A_408, %parallel_loop3A_409, %parallel_loop3A_410] {strides = array<i32>} : memref<2x8x32x64xi32, #tpu.memory_space<vmem>>, vector<16xi32>,
          %parallel_loop3A_412 = vector.bitcast %parallel_loop3A_411 : vector<16xi32> to vector<16xi32>
          %parallel_loop3A_413 = arith.minui %parallel_loop3A_412, %broadcast_in_dim3A_127 : vector<16xi32>
          %parallel_loop3A_414 = vector.bitcast %parallel_loop3A_413 : vector<16xi32> to vector<16xi32>
          %parallel_loop3A_415 = tpu.vector_load_idx %arg6[%parallel_loop3A_414] : memref<8208xi32, #tpu.memory_space<vmem>>[vector<16xi32>], vector<16xi32>,
          %parallel_loop3A_416 = arith.addi %parallel_loop3A_402, %parallel_loop3A_415 : vector<16xi32>
          %parallel_loop3A_417 = arith.constant 16 : i32
          %parallel_loop3A_418 = arith.muli %scan3A_287, %parallel_loop3A_417 : i32
          %parallel_loop3A_419 = arith.constant 1 : i32
          %parallel_loop3A_420 = arith.constant 6 : i32
          %parallel_loop3A_421 = arith.index_cast %parallel_loop3A_419 : i32 to index
          %parallel_loop3A_422 = arith.index_cast %parallel_loop3A_330 : i32 to index
          %parallel_loop3A_423 = arith.index_cast %parallel_loop3A_420 : i32 to index
          %parallel_loop3A_424 = arith.index_cast %parallel_loop3A_418 : i32 to index
          %parallel_loop3A_425 = tpu.vector_load %arg7[%parallel_loop3A_421, %parallel_loop3A_422, %parallel_loop3A_423, %parallel_loop3A_424] {strides = array<i32>} : memref<2x8x32x64xi32, #tpu.memory_space<vmem>>, vector<16xi32>,
          %parallel_loop3A_426 = vector.bitcast %parallel_loop3A_425 : vector<16xi32> to vector<16xi32>
          %parallel_loop3A_427 = arith.minui %parallel_loop3A_426, %broadcast_in_dim3A_127 : vector<16xi32>
          %parallel_loop3A_428 = vector.bitcast %parallel_loop3A_427 : vector<16xi32> to vector<16xi32>
          %parallel_loop3A_429 = tpu.vector_load_idx %arg6[%parallel_loop3A_428] : memref<8208xi32, #tpu.memory_space<vmem>>[vector<16xi32>], vector<16xi32>,
          %parallel_loop3A_430 = arith.addi %parallel_loop3A_416, %parallel_loop3A_429 : vector<16xi32>
          %parallel_loop3A_431 = arith.constant 16 : i32
          %parallel_loop3A_432 = arith.muli %scan3A_287, %parallel_loop3A_431 : i32
          %parallel_loop3A_433 = arith.constant 1 : i32
          %parallel_loop3A_434 = arith.constant 7 : i32
          %parallel_loop3A_435 = arith.index_cast %parallel_loop3A_433 : i32 to index
          %parallel_loop3A_436 = arith.index_cast %parallel_loop3A_330 : i32 to index
          %parallel_loop3A_437 = arith.index_cast %parallel_loop3A_434 : i32 to index
          %parallel_loop3A_438 = arith.index_cast %parallel_loop3A_432 : i32 to index
          %parallel_loop3A_439 = tpu.vector_load %arg7[%parallel_loop3A_435, %parallel_loop3A_436, %parallel_loop3A_437, %parallel_loop3A_438] {strides = array<i32>} : memref<2x8x32x64xi32, #tpu.memory_space<vmem>>, vector<16xi32>,
          %parallel_loop3A_440 = vector.bitcast %parallel_loop3A_439 : vector<16xi32> to vector<16xi32>
          %parallel_loop3A_441 = arith.minui %parallel_loop3A_440, %broadcast_in_dim3A_127 : vector<16xi32>
          %parallel_loop3A_442 = vector.bitcast %parallel_loop3A_441 : vector<16xi32> to vector<16xi32>
          %parallel_loop3A_443 = tpu.vector_load_idx %arg6[%parallel_loop3A_442] : memref<8208xi32, #tpu.memory_space<vmem>>[vector<16xi32>], vector<16xi32>,
          %parallel_loop3A_444 = arith.addi %parallel_loop3A_430, %parallel_loop3A_443 : vector<16xi32>
          %parallel_loop3A_445 = arith.constant 252645135 : i32
          %parallel_loop3A_446 = vector.broadcast %parallel_loop3A_445 : i32 to vector<16xi32>
          %parallel_loop3A_447 = arith.andi %parallel_loop3A_444, %parallel_loop3A_446 : vector<16xi32>
          %parallel_loop3A_448 = arith.addi %broadcast_in_dim3A_125, %parallel_loop3A_447 : vector<16xi32>
          %parallel_loop3A_449 = arith.constant 4 : i32
          %parallel_loop3A_450 = vector.broadcast %parallel_loop3A_449 : i32 to vector<16xi32>
          %parallel_loop3A_451 = arith.shrsi %parallel_loop3A_444, %parallel_loop3A_450 : vector<16xi32>
          %parallel_loop3A_452 = arith.constant 252645135 : i32
          %parallel_loop3A_453 = vector.broadcast %parallel_loop3A_452 : i32 to vector<16xi32>
          %parallel_loop3A_454 = arith.andi %parallel_loop3A_451, %parallel_loop3A_453 : vector<16xi32>
          %parallel_loop3A_455 = arith.addi %broadcast_in_dim3A_125, %parallel_loop3A_454 : vector<16xi32>
          %parallel_loop3A_456 = arith.constant 16 : i32
          %parallel_loop3A_457 = arith.muli %scan3A_287, %parallel_loop3A_456 : i32
          %parallel_loop3A_458 = arith.constant 1 : i32
          %parallel_loop3A_459 = arith.constant 8 : i32
          %parallel_loop3A_460 = arith.index_cast %parallel_loop3A_458 : i32 to index
          %parallel_loop3A_461 = arith.index_cast %parallel_loop3A_330 : i32 to index
          %parallel_loop3A_462 = arith.index_cast %parallel_loop3A_459 : i32 to index
          %parallel_loop3A_463 = arith.index_cast %parallel_loop3A_457 : i32 to index
          %parallel_loop3A_464 = tpu.vector_load %arg7[%parallel_loop3A_460, %parallel_loop3A_461, %parallel_loop3A_462, %parallel_loop3A_463] {strides = array<i32>} : memref<2x8x32x64xi32, #tpu.memory_space<vmem>>, vector<16xi32>,
          %parallel_loop3A_465 = vector.bitcast %parallel_loop3A_464 : vector<16xi32> to vector<16xi32>
          %parallel_loop3A_466 = arith.minui %parallel_loop3A_465, %broadcast_in_dim3A_127 : vector<16xi32>
          %parallel_loop3A_467 = vector.bitcast %parallel_loop3A_466 : vector<16xi32> to vector<16xi32>
          %parallel_loop3A_468 = tpu.vector_load_idx %arg6[%parallel_loop3A_467] : memref<8208xi32, #tpu.memory_space<vmem>>[vector<16xi32>], vector<16xi32>,
          %parallel_loop3A_469 = arith.addi %broadcast_in_dim3A_125, %parallel_loop3A_468 : vector<16xi32>
          %parallel_loop3A_470 = arith.constant 16 : i32
          %parallel_loop3A_471 = arith.muli %scan3A_287, %parallel_loop3A_470 : i32
          %parallel_loop3A_472 = arith.constant 1 : i32
          %parallel_loop3A_473 = arith.constant 9 : i32
          %parallel_loop3A_474 = arith.index_cast %parallel_loop3A_472 : i32 to index
          %parallel_loop3A_475 = arith.index_cast %parallel_loop3A_330 : i32 to index
          %parallel_loop3A_476 = arith.index_cast %parallel_loop3A_473 : i32 to index
          %parallel_loop3A_477 = arith.index_cast %parallel_loop3A_471 : i32 to index
          %parallel_loop3A_478 = tpu.vector_load %arg7[%parallel_loop3A_474, %parallel_loop3A_475, %parallel_loop3A_476, %parallel_loop3A_477] {strides = array<i32>} : memref<2x8x32x64xi32, #tpu.memory_space<vmem>>, vector<16xi32>,
          %parallel_loop3A_479 = vector.bitcast %parallel_loop3A_478 : vector<16xi32> to vector<16xi32>
          %parallel_loop3A_480 = arith.minui %parallel_loop3A_479, %broadcast_in_dim3A_127 : vector<16xi32>
          %parallel_loop3A_481 = vector.bitcast %parallel_loop3A_480 : vector<16xi32> to vector<16xi32>
          %parallel_loop3A_482 = tpu.vector_load_idx %arg6[%parallel_loop3A_481] : memref<8208xi32, #tpu.memory_space<vmem>>[vector<16xi32>], vector<16xi32>,
          %parallel_loop3A_483 = arith.addi %parallel_loop3A_469, %parallel_loop3A_482 : vector<16xi32>
          %parallel_loop3A_484 = arith.constant 16 : i32
          %parallel_loop3A_485 = arith.muli %scan3A_287, %parallel_loop3A_484 : i32
          %parallel_loop3A_486 = arith.constant 1 : i32
          %parallel_loop3A_487 = arith.constant 10 : i32
          %parallel_loop3A_488 = arith.index_cast %parallel_loop3A_486 : i32 to index
          %parallel_loop3A_489 = arith.index_cast %parallel_loop3A_330 : i32 to index
          %parallel_loop3A_490 = arith.index_cast %parallel_loop3A_487 : i32 to index
          %parallel_loop3A_491 = arith.index_cast %parallel_loop3A_485 : i32 to index
          %parallel_loop3A_492 = tpu.vector_load %arg7[%parallel_loop3A_488, %parallel_loop3A_489, %parallel_loop3A_490, %parallel_loop3A_491] {strides = array<i32>} : memref<2x8x32x64xi32, #tpu.memory_space<vmem>>, vector<16xi32>,
          %parallel_loop3A_493 = vector.bitcast %parallel_loop3A_492 : vector<16xi32> to vector<16xi32>
          %parallel_loop3A_494 = arith.minui %parallel_loop3A_493, %broadcast_in_dim3A_127 : vector<16xi32>
          %parallel_loop3A_495 = vector.bitcast %parallel_loop3A_494 : vector<16xi32> to vector<16xi32>
          %parallel_loop3A_496 = tpu.vector_load_idx %arg6[%parallel_loop3A_495] : memref<8208xi32, #tpu.memory_space<vmem>>[vector<16xi32>], vector<16xi32>,
          %parallel_loop3A_497 = arith.addi %parallel_loop3A_483, %parallel_loop3A_496 : vector<16xi32>
          %parallel_loop3A_498 = arith.constant 16 : i32
          %parallel_loop3A_499 = arith.muli %scan3A_287, %parallel_loop3A_498 : i32
          %parallel_loop3A_500 = arith.constant 1 : i32
          %parallel_loop3A_501 = arith.constant 11 : i32
          %parallel_loop3A_502 = arith.index_cast %parallel_loop3A_500 : i32 to index
          %parallel_loop3A_503 = arith.index_cast %parallel_loop3A_330 : i32 to index
          %parallel_loop3A_504 = arith.index_cast %parallel_loop3A_501 : i32 to index
          %parallel_loop3A_505 = arith.index_cast %parallel_loop3A_499 : i32 to index
          %parallel_loop3A_506 = tpu.vector_load %arg7[%parallel_loop3A_502, %parallel_loop3A_503, %parallel_loop3A_504, %parallel_loop3A_505] {strides = array<i32>} : memref<2x8x32x64xi32, #tpu.memory_space<vmem>>, vector<16xi32>,
          %parallel_loop3A_507 = vector.bitcast %parallel_loop3A_506 : vector<16xi32> to vector<16xi32>
          %parallel_loop3A_508 = arith.minui %parallel_loop3A_507, %broadcast_in_dim3A_127 : vector<16xi32>
          %parallel_loop3A_509 = vector.bitcast %parallel_loop3A_508 : vector<16xi32> to vector<16xi32>
          %parallel_loop3A_510 = tpu.vector_load_idx %arg6[%parallel_loop3A_509] : memref<8208xi32, #tpu.memory_space<vmem>>[vector<16xi32>], vector<16xi32>,
          %parallel_loop3A_511 = arith.addi %parallel_loop3A_497, %parallel_loop3A_510 : vector<16xi32>
          %parallel_loop3A_512 = arith.constant 16 : i32
          %parallel_loop3A_513 = arith.muli %scan3A_287, %parallel_loop3A_512 : i32
          %parallel_loop3A_514 = arith.constant 1 : i32
          %parallel_loop3A_515 = arith.constant 12 : i32
          %parallel_loop3A_516 = arith.index_cast %parallel_loop3A_514 : i32 to index
          %parallel_loop3A_517 = arith.index_cast %parallel_loop3A_330 : i32 to index
          %parallel_loop3A_518 = arith.index_cast %parallel_loop3A_515 : i32 to index
          %parallel_loop3A_519 = arith.index_cast %parallel_loop3A_513 : i32 to index
          %parallel_loop3A_520 = tpu.vector_load %arg7[%parallel_loop3A_516, %parallel_loop3A_517, %parallel_loop3A_518, %parallel_loop3A_519] {strides = array<i32>} : memref<2x8x32x64xi32, #tpu.memory_space<vmem>>, vector<16xi32>,
          %parallel_loop3A_521 = vector.bitcast %parallel_loop3A_520 : vector<16xi32> to vector<16xi32>
          %parallel_loop3A_522 = arith.minui %parallel_loop3A_521, %broadcast_in_dim3A_127 : vector<16xi32>
          %parallel_loop3A_523 = vector.bitcast %parallel_loop3A_522 : vector<16xi32> to vector<16xi32>
          %parallel_loop3A_524 = tpu.vector_load_idx %arg6[%parallel_loop3A_523] : memref<8208xi32, #tpu.memory_space<vmem>>[vector<16xi32>], vector<16xi32>,
          %parallel_loop3A_525 = arith.addi %parallel_loop3A_511, %parallel_loop3A_524 : vector<16xi32>
          %parallel_loop3A_526 = arith.constant 16 : i32
          %parallel_loop3A_527 = arith.muli %scan3A_287, %parallel_loop3A_526 : i32
          %parallel_loop3A_528 = arith.constant 1 : i32
          %parallel_loop3A_529 = arith.constant 13 : i32
          %parallel_loop3A_530 = arith.index_cast %parallel_loop3A_528 : i32 to index
          %parallel_loop3A_531 = arith.index_cast %parallel_loop3A_330 : i32 to index
          %parallel_loop3A_532 = arith.index_cast %parallel_loop3A_529 : i32 to index
          %parallel_loop3A_533 = arith.index_cast %parallel_loop3A_527 : i32 to index
          %parallel_loop3A_534 = tpu.vector_load %arg7[%parallel_loop3A_530, %parallel_loop3A_531, %parallel_loop3A_532, %parallel_loop3A_533] {strides = array<i32>} : memref<2x8x32x64xi32, #tpu.memory_space<vmem>>, vector<16xi32>,
          %parallel_loop3A_535 = vector.bitcast %parallel_loop3A_534 : vector<16xi32> to vector<16xi32>
          %parallel_loop3A_536 = arith.minui %parallel_loop3A_535, %broadcast_in_dim3A_127 : vector<16xi32>
          %parallel_loop3A_537 = vector.bitcast %parallel_loop3A_536 : vector<16xi32> to vector<16xi32>
          %parallel_loop3A_538 = tpu.vector_load_idx %arg6[%parallel_loop3A_537] : memref<8208xi32, #tpu.memory_space<vmem>>[vector<16xi32>], vector<16xi32>,
          %parallel_loop3A_539 = arith.addi %parallel_loop3A_525, %parallel_loop3A_538 : vector<16xi32>
          %parallel_loop3A_540 = arith.constant 16 : i32
          %parallel_loop3A_541 = arith.muli %scan3A_287, %parallel_loop3A_540 : i32
          %parallel_loop3A_542 = arith.constant 1 : i32
          %parallel_loop3A_543 = arith.constant 14 : i32
          %parallel_loop3A_544 = arith.index_cast %parallel_loop3A_542 : i32 to index
          %parallel_loop3A_545 = arith.index_cast %parallel_loop3A_330 : i32 to index
          %parallel_loop3A_546 = arith.index_cast %parallel_loop3A_543 : i32 to index
          %parallel_loop3A_547 = arith.index_cast %parallel_loop3A_541 : i32 to index
          %parallel_loop3A_548 = tpu.vector_load %arg7[%parallel_loop3A_544, %parallel_loop3A_545, %parallel_loop3A_546, %parallel_loop3A_547] {strides = array<i32>} : memref<2x8x32x64xi32, #tpu.memory_space<vmem>>, vector<16xi32>,
          %parallel_loop3A_549 = vector.bitcast %parallel_loop3A_548 : vector<16xi32> to vector<16xi32>
          %parallel_loop3A_550 = arith.minui %parallel_loop3A_549, %broadcast_in_dim3A_127 : vector<16xi32>
          %parallel_loop3A_551 = vector.bitcast %parallel_loop3A_550 : vector<16xi32> to vector<16xi32>
          %parallel_loop3A_552 = tpu.vector_load_idx %arg6[%parallel_loop3A_551] : memref<8208xi32, #tpu.memory_space<vmem>>[vector<16xi32>], vector<16xi32>,
          %parallel_loop3A_553 = arith.addi %parallel_loop3A_539, %parallel_loop3A_552 : vector<16xi32>
          %parallel_loop3A_554 = arith.constant 16 : i32
          %parallel_loop3A_555 = arith.muli %scan3A_287, %parallel_loop3A_554 : i32
          %parallel_loop3A_556 = arith.constant 1 : i32
          %parallel_loop3A_557 = arith.constant 15 : i32
          %parallel_loop3A_558 = arith.index_cast %parallel_loop3A_556 : i32 to index
          %parallel_loop3A_559 = arith.index_cast %parallel_loop3A_330 : i32 to index
          %parallel_loop3A_560 = arith.index_cast %parallel_loop3A_557 : i32 to index
          %parallel_loop3A_561 = arith.index_cast %parallel_loop3A_555 : i32 to index
          %parallel_loop3A_562 = tpu.vector_load %arg7[%parallel_loop3A_558, %parallel_loop3A_559, %parallel_loop3A_560, %parallel_loop3A_561] {strides = array<i32>} : memref<2x8x32x64xi32, #tpu.memory_space<vmem>>, vector<16xi32>,
          %parallel_loop3A_563 = vector.bitcast %parallel_loop3A_562 : vector<16xi32> to vector<16xi32>
          %parallel_loop3A_564 = arith.minui %parallel_loop3A_563, %broadcast_in_dim3A_127 : vector<16xi32>
          %parallel_loop3A_565 = vector.bitcast %parallel_loop3A_564 : vector<16xi32> to vector<16xi32>
          %parallel_loop3A_566 = tpu.vector_load_idx %arg6[%parallel_loop3A_565] : memref<8208xi32, #tpu.memory_space<vmem>>[vector<16xi32>], vector<16xi32>,
          %parallel_loop3A_567 = arith.addi %parallel_loop3A_553, %parallel_loop3A_566 : vector<16xi32>
          %parallel_loop3A_568 = arith.constant 252645135 : i32
          %parallel_loop3A_569 = vector.broadcast %parallel_loop3A_568 : i32 to vector<16xi32>
          %parallel_loop3A_570 = arith.andi %parallel_loop3A_567, %parallel_loop3A_569 : vector<16xi32>
          %parallel_loop3A_571 = arith.addi %parallel_loop3A_448, %parallel_loop3A_570 : vector<16xi32>
          %parallel_loop3A_572 = arith.constant 4 : i32
          %parallel_loop3A_573 = vector.broadcast %parallel_loop3A_572 : i32 to vector<16xi32>
          %parallel_loop3A_574 = arith.shrsi %parallel_loop3A_567, %parallel_loop3A_573 : vector<16xi32>
          %parallel_loop3A_575 = arith.constant 252645135 : i32
          %parallel_loop3A_576 = vector.broadcast %parallel_loop3A_575 : i32 to vector<16xi32>
          %parallel_loop3A_577 = arith.andi %parallel_loop3A_574, %parallel_loop3A_576 : vector<16xi32>
          %parallel_loop3A_578 = arith.addi %parallel_loop3A_455, %parallel_loop3A_577 : vector<16xi32>
          %parallel_loop3A_579 = arith.constant 16 : i32
          %parallel_loop3A_580 = arith.muli %scan3A_287, %parallel_loop3A_579 : i32
          %parallel_loop3A_581 = arith.constant 1 : i32
          %parallel_loop3A_582 = arith.constant 16 : i32
          %parallel_loop3A_583 = arith.index_cast %parallel_loop3A_581 : i32 to index
          %parallel_loop3A_584 = arith.index_cast %parallel_loop3A_330 : i32 to index
          %parallel_loop3A_585 = arith.index_cast %parallel_loop3A_582 : i32 to index
          %parallel_loop3A_586 = arith.index_cast %parallel_loop3A_580 : i32 to index
          %parallel_loop3A_587 = tpu.vector_load %arg7[%parallel_loop3A_583, %parallel_loop3A_584, %parallel_loop3A_585, %parallel_loop3A_586] {strides = array<i32>} : memref<2x8x32x64xi32, #tpu.memory_space<vmem>>, vector<16xi32>,
          %parallel_loop3A_588 = vector.bitcast %parallel_loop3A_587 : vector<16xi32> to vector<16xi32>
          %parallel_loop3A_589 = arith.minui %parallel_loop3A_588, %broadcast_in_dim3A_127 : vector<16xi32>
          %parallel_loop3A_590 = vector.bitcast %parallel_loop3A_589 : vector<16xi32> to vector<16xi32>
          %parallel_loop3A_591 = tpu.vector_load_idx %arg6[%parallel_loop3A_590] : memref<8208xi32, #tpu.memory_space<vmem>>[vector<16xi32>], vector<16xi32>,
          %parallel_loop3A_592 = arith.addi %broadcast_in_dim3A_125, %parallel_loop3A_591 : vector<16xi32>
          %parallel_loop3A_593 = arith.constant 16 : i32
          %parallel_loop3A_594 = arith.muli %scan3A_287, %parallel_loop3A_593 : i32
          %parallel_loop3A_595 = arith.constant 1 : i32
          %parallel_loop3A_596 = arith.constant 17 : i32
          %parallel_loop3A_597 = arith.index_cast %parallel_loop3A_595 : i32 to index
          %parallel_loop3A_598 = arith.index_cast %parallel_loop3A_330 : i32 to index
          %parallel_loop3A_599 = arith.index_cast %parallel_loop3A_596 : i32 to index
          %parallel_loop3A_600 = arith.index_cast %parallel_loop3A_594 : i32 to index
          %parallel_loop3A_601 = tpu.vector_load %arg7[%parallel_loop3A_597, %parallel_loop3A_598, %parallel_loop3A_599, %parallel_loop3A_600] {strides = array<i32>} : memref<2x8x32x64xi32, #tpu.memory_space<vmem>>, vector<16xi32>,
          %parallel_loop3A_602 = vector.bitcast %parallel_loop3A_601 : vector<16xi32> to vector<16xi32>
          %parallel_loop3A_603 = arith.minui %parallel_loop3A_602, %broadcast_in_dim3A_127 : vector<16xi32>
          %parallel_loop3A_604 = vector.bitcast %parallel_loop3A_603 : vector<16xi32> to vector<16xi32>
          %parallel_loop3A_605 = tpu.vector_load_idx %arg6[%parallel_loop3A_604] : memref<8208xi32, #tpu.memory_space<vmem>>[vector<16xi32>], vector<16xi32>,
          %parallel_loop3A_606 = arith.addi %parallel_loop3A_592, %parallel_loop3A_605 : vector<16xi32>
          %parallel_loop3A_607 = arith.constant 16 : i32
          %parallel_loop3A_608 = arith.muli %scan3A_287, %parallel_loop3A_607 : i32
          %parallel_loop3A_609 = arith.constant 1 : i32
          %parallel_loop3A_610 = arith.constant 18 : i32
          %parallel_loop3A_611 = arith.index_cast %parallel_loop3A_609 : i32 to index
          %parallel_loop3A_612 = arith.index_cast %parallel_loop3A_330 : i32 to index
          %parallel_loop3A_613 = arith.index_cast %parallel_loop3A_610 : i32 to index
          %parallel_loop3A_614 = arith.index_cast %parallel_loop3A_608 : i32 to index
          %parallel_loop3A_615 = tpu.vector_load %arg7[%parallel_loop3A_611, %parallel_loop3A_612, %parallel_loop3A_613, %parallel_loop3A_614] {strides = array<i32>} : memref<2x8x32x64xi32, #tpu.memory_space<vmem>>, vector<16xi32>,
          %parallel_loop3A_616 = vector.bitcast %parallel_loop3A_615 : vector<16xi32> to vector<16xi32>
          %parallel_loop3A_617 = arith.minui %parallel_loop3A_616, %broadcast_in_dim3A_127 : vector<16xi32>
          %parallel_loop3A_618 = vector.bitcast %parallel_loop3A_617 : vector<16xi32> to vector<16xi32>
          %parallel_loop3A_619 = tpu.vector_load_idx %arg6[%parallel_loop3A_618] : memref<8208xi32, #tpu.memory_space<vmem>>[vector<16xi32>], vector<16xi32>,
          %parallel_loop3A_620 = arith.addi %parallel_loop3A_606, %parallel_loop3A_619 : vector<16xi32>
          %parallel_loop3A_621 = arith.constant 16 : i32
          %parallel_loop3A_622 = arith.muli %scan3A_287, %parallel_loop3A_621 : i32
          %parallel_loop3A_623 = arith.constant 1 : i32
          %parallel_loop3A_624 = arith.constant 19 : i32
          %parallel_loop3A_625 = arith.index_cast %parallel_loop3A_623 : i32 to index
          %parallel_loop3A_626 = arith.index_cast %parallel_loop3A_330 : i32 to index
          %parallel_loop3A_627 = arith.index_cast %parallel_loop3A_624 : i32 to index
          %parallel_loop3A_628 = arith.index_cast %parallel_loop3A_622 : i32 to index
          %parallel_loop3A_629 = tpu.vector_load %arg7[%parallel_loop3A_625, %parallel_loop3A_626, %parallel_loop3A_627, %parallel_loop3A_628] {strides = array<i32>} : memref<2x8x32x64xi32, #tpu.memory_space<vmem>>, vector<16xi32>,
          %parallel_loop3A_630 = vector.bitcast %parallel_loop3A_629 : vector<16xi32> to vector<16xi32>
          %parallel_loop3A_631 = arith.minui %parallel_loop3A_630, %broadcast_in_dim3A_127 : vector<16xi32>
          %parallel_loop3A_632 = vector.bitcast %parallel_loop3A_631 : vector<16xi32> to vector<16xi32>
          %parallel_loop3A_633 = tpu.vector_load_idx %arg6[%parallel_loop3A_632] : memref<8208xi32, #tpu.memory_space<vmem>>[vector<16xi32>], vector<16xi32>,
          %parallel_loop3A_634 = arith.addi %parallel_loop3A_620, %parallel_loop3A_633 : vector<16xi32>
          %parallel_loop3A_635 = arith.constant 16 : i32
          %parallel_loop3A_636 = arith.muli %scan3A_287, %parallel_loop3A_635 : i32
          %parallel_loop3A_637 = arith.constant 1 : i32
          %parallel_loop3A_638 = arith.constant 20 : i32
          %parallel_loop3A_639 = arith.index_cast %parallel_loop3A_637 : i32 to index
          %parallel_loop3A_640 = arith.index_cast %parallel_loop3A_330 : i32 to index
          %parallel_loop3A_641 = arith.index_cast %parallel_loop3A_638 : i32 to index
          %parallel_loop3A_642 = arith.index_cast %parallel_loop3A_636 : i32 to index
          %parallel_loop3A_643 = tpu.vector_load %arg7[%parallel_loop3A_639, %parallel_loop3A_640, %parallel_loop3A_641, %parallel_loop3A_642] {strides = array<i32>} : memref<2x8x32x64xi32, #tpu.memory_space<vmem>>, vector<16xi32>,
          %parallel_loop3A_644 = vector.bitcast %parallel_loop3A_643 : vector<16xi32> to vector<16xi32>
          %parallel_loop3A_645 = arith.minui %parallel_loop3A_644, %broadcast_in_dim3A_127 : vector<16xi32>
          %parallel_loop3A_646 = vector.bitcast %parallel_loop3A_645 : vector<16xi32> to vector<16xi32>
          %parallel_loop3A_647 = tpu.vector_load_idx %arg6[%parallel_loop3A_646] : memref<8208xi32, #tpu.memory_space<vmem>>[vector<16xi32>], vector<16xi32>,
          %parallel_loop3A_648 = arith.addi %parallel_loop3A_634, %parallel_loop3A_647 : vector<16xi32>
          %parallel_loop3A_649 = arith.constant 16 : i32
          %parallel_loop3A_650 = arith.muli %scan3A_287, %parallel_loop3A_649 : i32
          %parallel_loop3A_651 = arith.constant 1 : i32
          %parallel_loop3A_652 = arith.constant 21 : i32
          %parallel_loop3A_653 = arith.index_cast %parallel_loop3A_651 : i32 to index
          %parallel_loop3A_654 = arith.index_cast %parallel_loop3A_330 : i32 to index
          %parallel_loop3A_655 = arith.index_cast %parallel_loop3A_652 : i32 to index
          %parallel_loop3A_656 = arith.index_cast %parallel_loop3A_650 : i32 to index
          %parallel_loop3A_657 = tpu.vector_load %arg7[%parallel_loop3A_653, %parallel_loop3A_654, %parallel_loop3A_655, %parallel_loop3A_656] {strides = array<i32>} : memref<2x8x32x64xi32, #tpu.memory_space<vmem>>, vector<16xi32>,
          %parallel_loop3A_658 = vector.bitcast %parallel_loop3A_657 : vector<16xi32> to vector<16xi32>
          %parallel_loop3A_659 = arith.minui %parallel_loop3A_658, %broadcast_in_dim3A_127 : vector<16xi32>
          %parallel_loop3A_660 = vector.bitcast %parallel_loop3A_659 : vector<16xi32> to vector<16xi32>
          %parallel_loop3A_661 = tpu.vector_load_idx %arg6[%parallel_loop3A_660] : memref<8208xi32, #tpu.memory_space<vmem>>[vector<16xi32>], vector<16xi32>,
          %parallel_loop3A_662 = arith.addi %parallel_loop3A_648, %parallel_loop3A_661 : vector<16xi32>
          %parallel_loop3A_663 = arith.constant 16 : i32
          %parallel_loop3A_664 = arith.muli %scan3A_287, %parallel_loop3A_663 : i32
          %parallel_loop3A_665 = arith.constant 1 : i32
          %parallel_loop3A_666 = arith.constant 22 : i32
          %parallel_loop3A_667 = arith.index_cast %parallel_loop3A_665 : i32 to index
          %parallel_loop3A_668 = arith.index_cast %parallel_loop3A_330 : i32 to index
          %parallel_loop3A_669 = arith.index_cast %parallel_loop3A_666 : i32 to index
          %parallel_loop3A_670 = arith.index_cast %parallel_loop3A_664 : i32 to index
          %parallel_loop3A_671 = tpu.vector_load %arg7[%parallel_loop3A_667, %parallel_loop3A_668, %parallel_loop3A_669, %parallel_loop3A_670] {strides = array<i32>} : memref<2x8x32x64xi32, #tpu.memory_space<vmem>>, vector<16xi32>,
          %parallel_loop3A_672 = vector.bitcast %parallel_loop3A_671 : vector<16xi32> to vector<16xi32>
          %parallel_loop3A_673 = arith.minui %parallel_loop3A_672, %broadcast_in_dim3A_127 : vector<16xi32>
          %parallel_loop3A_674 = vector.bitcast %parallel_loop3A_673 : vector<16xi32> to vector<16xi32>
          %parallel_loop3A_675 = tpu.vector_load_idx %arg6[%parallel_loop3A_674] : memref<8208xi32, #tpu.memory_space<vmem>>[vector<16xi32>], vector<16xi32>,
          %parallel_loop3A_676 = arith.addi %parallel_loop3A_662, %parallel_loop3A_675 : vector<16xi32>
          %parallel_loop3A_677 = arith.constant 16 : i32
          %parallel_loop3A_678 = arith.muli %scan3A_287, %parallel_loop3A_677 : i32
          %parallel_loop3A_679 = arith.constant 1 : i32
          %parallel_loop3A_680 = arith.constant 23 : i32
          %parallel_loop3A_681 = arith.index_cast %parallel_loop3A_679 : i32 to index
          %parallel_loop3A_682 = arith.index_cast %parallel_loop3A_330 : i32 to index
          %parallel_loop3A_683 = arith.index_cast %parallel_loop3A_680 : i32 to index
          %parallel_loop3A_684 = arith.index_cast %parallel_loop3A_678 : i32 to index
          %parallel_loop3A_685 = tpu.vector_load %arg7[%parallel_loop3A_681, %parallel_loop3A_682, %parallel_loop3A_683, %parallel_loop3A_684] {strides = array<i32>} : memref<2x8x32x64xi32, #tpu.memory_space<vmem>>, vector<16xi32>,
          %parallel_loop3A_686 = vector.bitcast %parallel_loop3A_685 : vector<16xi32> to vector<16xi32>
          %parallel_loop3A_687 = arith.minui %parallel_loop3A_686, %broadcast_in_dim3A_127 : vector<16xi32>
          %parallel_loop3A_688 = vector.bitcast %parallel_loop3A_687 : vector<16xi32> to vector<16xi32>
          %parallel_loop3A_689 = tpu.vector_load_idx %arg6[%parallel_loop3A_688] : memref<8208xi32, #tpu.memory_space<vmem>>[vector<16xi32>], vector<16xi32>,
          %parallel_loop3A_690 = arith.addi %parallel_loop3A_676, %parallel_loop3A_689 : vector<16xi32>
          %parallel_loop3A_691 = arith.constant 252645135 : i32
          %parallel_loop3A_692 = vector.broadcast %parallel_loop3A_691 : i32 to vector<16xi32>
          %parallel_loop3A_693 = arith.andi %parallel_loop3A_690, %parallel_loop3A_692 : vector<16xi32>
          %parallel_loop3A_694 = arith.addi %parallel_loop3A_571, %parallel_loop3A_693 : vector<16xi32>
          %parallel_loop3A_695 = arith.constant 4 : i32
          %parallel_loop3A_696 = vector.broadcast %parallel_loop3A_695 : i32 to vector<16xi32>
          %parallel_loop3A_697 = arith.shrsi %parallel_loop3A_690, %parallel_loop3A_696 : vector<16xi32>
          %parallel_loop3A_698 = arith.constant 252645135 : i32
          %parallel_loop3A_699 = vector.broadcast %parallel_loop3A_698 : i32 to vector<16xi32>
          %parallel_loop3A_700 = arith.andi %parallel_loop3A_697, %parallel_loop3A_699 : vector<16xi32>
          %parallel_loop3A_701 = arith.addi %parallel_loop3A_578, %parallel_loop3A_700 : vector<16xi32>
          %parallel_loop3A_702 = arith.constant 16 : i32
          %parallel_loop3A_703 = arith.muli %scan3A_287, %parallel_loop3A_702 : i32
          %parallel_loop3A_704 = arith.constant 1 : i32
          %parallel_loop3A_705 = arith.constant 24 : i32
          %parallel_loop3A_706 = arith.index_cast %parallel_loop3A_704 : i32 to index
          %parallel_loop3A_707 = arith.index_cast %parallel_loop3A_330 : i32 to index
          %parallel_loop3A_708 = arith.index_cast %parallel_loop3A_705 : i32 to index
          %parallel_loop3A_709 = arith.index_cast %parallel_loop3A_703 : i32 to index
          %parallel_loop3A_710 = tpu.vector_load %arg7[%parallel_loop3A_706, %parallel_loop3A_707, %parallel_loop3A_708, %parallel_loop3A_709] {strides = array<i32>} : memref<2x8x32x64xi32, #tpu.memory_space<vmem>>, vector<16xi32>,
          %parallel_loop3A_711 = vector.bitcast %parallel_loop3A_710 : vector<16xi32> to vector<16xi32>
          %parallel_loop3A_712 = arith.minui %parallel_loop3A_711, %broadcast_in_dim3A_127 : vector<16xi32>
          %parallel_loop3A_713 = vector.bitcast %parallel_loop3A_712 : vector<16xi32> to vector<16xi32>
          %parallel_loop3A_714 = tpu.vector_load_idx %arg6[%parallel_loop3A_713] : memref<8208xi32, #tpu.memory_space<vmem>>[vector<16xi32>], vector<16xi32>,
          %parallel_loop3A_715 = arith.addi %broadcast_in_dim3A_125, %parallel_loop3A_714 : vector<16xi32>
          %parallel_loop3A_716 = arith.constant 16 : i32
          %parallel_loop3A_717 = arith.muli %scan3A_287, %parallel_loop3A_716 : i32
          %parallel_loop3A_718 = arith.constant 1 : i32
          %parallel_loop3A_719 = arith.constant 25 : i32
          %parallel_loop3A_720 = arith.index_cast %parallel_loop3A_718 : i32 to index
          %parallel_loop3A_721 = arith.index_cast %parallel_loop3A_330 : i32 to index
          %parallel_loop3A_722 = arith.index_cast %parallel_loop3A_719 : i32 to index
          %parallel_loop3A_723 = arith.index_cast %parallel_loop3A_717 : i32 to index
          %parallel_loop3A_724 = tpu.vector_load %arg7[%parallel_loop3A_720, %parallel_loop3A_721, %parallel_loop3A_722, %parallel_loop3A_723] {strides = array<i32>} : memref<2x8x32x64xi32, #tpu.memory_space<vmem>>, vector<16xi32>,
          %parallel_loop3A_725 = vector.bitcast %parallel_loop3A_724 : vector<16xi32> to vector<16xi32>
          %parallel_loop3A_726 = arith.minui %parallel_loop3A_725, %broadcast_in_dim3A_127 : vector<16xi32>
          %parallel_loop3A_727 = vector.bitcast %parallel_loop3A_726 : vector<16xi32> to vector<16xi32>
          %parallel_loop3A_728 = tpu.vector_load_idx %arg6[%parallel_loop3A_727] : memref<8208xi32, #tpu.memory_space<vmem>>[vector<16xi32>], vector<16xi32>,
          %parallel_loop3A_729 = arith.addi %parallel_loop3A_715, %parallel_loop3A_728 : vector<16xi32>
          %parallel_loop3A_730 = arith.constant 16 : i32
          %parallel_loop3A_731 = arith.muli %scan3A_287, %parallel_loop3A_730 : i32
          %parallel_loop3A_732 = arith.constant 1 : i32
          %parallel_loop3A_733 = arith.constant 26 : i32
          %parallel_loop3A_734 = arith.index_cast %parallel_loop3A_732 : i32 to index
          %parallel_loop3A_735 = arith.index_cast %parallel_loop3A_330 : i32 to index
          %parallel_loop3A_736 = arith.index_cast %parallel_loop3A_733 : i32 to index
          %parallel_loop3A_737 = arith.index_cast %parallel_loop3A_731 : i32 to index
          %parallel_loop3A_738 = tpu.vector_load %arg7[%parallel_loop3A_734, %parallel_loop3A_735, %parallel_loop3A_736, %parallel_loop3A_737] {strides = array<i32>} : memref<2x8x32x64xi32, #tpu.memory_space<vmem>>, vector<16xi32>,
          %parallel_loop3A_739 = vector.bitcast %parallel_loop3A_738 : vector<16xi32> to vector<16xi32>
          %parallel_loop3A_740 = arith.minui %parallel_loop3A_739, %broadcast_in_dim3A_127 : vector<16xi32>
          %parallel_loop3A_741 = vector.bitcast %parallel_loop3A_740 : vector<16xi32> to vector<16xi32>
          %parallel_loop3A_742 = tpu.vector_load_idx %arg6[%parallel_loop3A_741] : memref<8208xi32, #tpu.memory_space<vmem>>[vector<16xi32>], vector<16xi32>,
          %parallel_loop3A_743 = arith.addi %parallel_loop3A_729, %parallel_loop3A_742 : vector<16xi32>
          %parallel_loop3A_744 = arith.constant 16 : i32
          %parallel_loop3A_745 = arith.muli %scan3A_287, %parallel_loop3A_744 : i32
          %parallel_loop3A_746 = arith.constant 1 : i32
          %parallel_loop3A_747 = arith.constant 27 : i32
          %parallel_loop3A_748 = arith.index_cast %parallel_loop3A_746 : i32 to index
          %parallel_loop3A_749 = arith.index_cast %parallel_loop3A_330 : i32 to index
          %parallel_loop3A_750 = arith.index_cast %parallel_loop3A_747 : i32 to index
          %parallel_loop3A_751 = arith.index_cast %parallel_loop3A_745 : i32 to index
          %parallel_loop3A_752 = tpu.vector_load %arg7[%parallel_loop3A_748, %parallel_loop3A_749, %parallel_loop3A_750, %parallel_loop3A_751] {strides = array<i32>} : memref<2x8x32x64xi32, #tpu.memory_space<vmem>>, vector<16xi32>,
          %parallel_loop3A_753 = vector.bitcast %parallel_loop3A_752 : vector<16xi32> to vector<16xi32>
          %parallel_loop3A_754 = arith.minui %parallel_loop3A_753, %broadcast_in_dim3A_127 : vector<16xi32>
          %parallel_loop3A_755 = vector.bitcast %parallel_loop3A_754 : vector<16xi32> to vector<16xi32>
          %parallel_loop3A_756 = tpu.vector_load_idx %arg6[%parallel_loop3A_755] : memref<8208xi32, #tpu.memory_space<vmem>>[vector<16xi32>], vector<16xi32>,
          %parallel_loop3A_757 = arith.addi %parallel_loop3A_743, %parallel_loop3A_756 : vector<16xi32>
          %parallel_loop3A_758 = arith.constant 16 : i32
          %parallel_loop3A_759 = arith.muli %scan3A_287, %parallel_loop3A_758 : i32
          %parallel_loop3A_760 = arith.constant 1 : i32
          %parallel_loop3A_761 = arith.constant 28 : i32
          %parallel_loop3A_762 = arith.index_cast %parallel_loop3A_760 : i32 to index
          %parallel_loop3A_763 = arith.index_cast %parallel_loop3A_330 : i32 to index
          %parallel_loop3A_764 = arith.index_cast %parallel_loop3A_761 : i32 to index
          %parallel_loop3A_765 = arith.index_cast %parallel_loop3A_759 : i32 to index
          %parallel_loop3A_766 = tpu.vector_load %arg7[%parallel_loop3A_762, %parallel_loop3A_763, %parallel_loop3A_764, %parallel_loop3A_765] {strides = array<i32>} : memref<2x8x32x64xi32, #tpu.memory_space<vmem>>, vector<16xi32>,
          %parallel_loop3A_767 = vector.bitcast %parallel_loop3A_766 : vector<16xi32> to vector<16xi32>
          %parallel_loop3A_768 = arith.minui %parallel_loop3A_767, %broadcast_in_dim3A_127 : vector<16xi32>
          %parallel_loop3A_769 = vector.bitcast %parallel_loop3A_768 : vector<16xi32> to vector<16xi32>
          %parallel_loop3A_770 = tpu.vector_load_idx %arg6[%parallel_loop3A_769] : memref<8208xi32, #tpu.memory_space<vmem>>[vector<16xi32>], vector<16xi32>,
          %parallel_loop3A_771 = arith.addi %parallel_loop3A_757, %parallel_loop3A_770 : vector<16xi32>
          %parallel_loop3A_772 = arith.constant 16 : i32
          %parallel_loop3A_773 = arith.muli %scan3A_287, %parallel_loop3A_772 : i32
          %parallel_loop3A_774 = arith.constant 1 : i32
          %parallel_loop3A_775 = arith.constant 29 : i32
          %parallel_loop3A_776 = arith.index_cast %parallel_loop3A_774 : i32 to index
          %parallel_loop3A_777 = arith.index_cast %parallel_loop3A_330 : i32 to index
          %parallel_loop3A_778 = arith.index_cast %parallel_loop3A_775 : i32 to index
          %parallel_loop3A_779 = arith.index_cast %parallel_loop3A_773 : i32 to index
          %parallel_loop3A_780 = tpu.vector_load %arg7[%parallel_loop3A_776, %parallel_loop3A_777, %parallel_loop3A_778, %parallel_loop3A_779] {strides = array<i32>} : memref<2x8x32x64xi32, #tpu.memory_space<vmem>>, vector<16xi32>,
          %parallel_loop3A_781 = vector.bitcast %parallel_loop3A_780 : vector<16xi32> to vector<16xi32>
          %parallel_loop3A_782 = arith.minui %parallel_loop3A_781, %broadcast_in_dim3A_127 : vector<16xi32>
          %parallel_loop3A_783 = vector.bitcast %parallel_loop3A_782 : vector<16xi32> to vector<16xi32>
          %parallel_loop3A_784 = tpu.vector_load_idx %arg6[%parallel_loop3A_783] : memref<8208xi32, #tpu.memory_space<vmem>>[vector<16xi32>], vector<16xi32>,
          %parallel_loop3A_785 = arith.addi %parallel_loop3A_771, %parallel_loop3A_784 : vector<16xi32>
          %parallel_loop3A_786 = arith.constant 16 : i32
          %parallel_loop3A_787 = arith.muli %scan3A_287, %parallel_loop3A_786 : i32
          %parallel_loop3A_788 = arith.constant 1 : i32
          %parallel_loop3A_789 = arith.constant 30 : i32
          %parallel_loop3A_790 = arith.index_cast %parallel_loop3A_788 : i32 to index
          %parallel_loop3A_791 = arith.index_cast %parallel_loop3A_330 : i32 to index
          %parallel_loop3A_792 = arith.index_cast %parallel_loop3A_789 : i32 to index
          %parallel_loop3A_793 = arith.index_cast %parallel_loop3A_787 : i32 to index
          %parallel_loop3A_794 = tpu.vector_load %arg7[%parallel_loop3A_790, %parallel_loop3A_791, %parallel_loop3A_792, %parallel_loop3A_793] {strides = array<i32>} : memref<2x8x32x64xi32, #tpu.memory_space<vmem>>, vector<16xi32>,
          %parallel_loop3A_795 = vector.bitcast %parallel_loop3A_794 : vector<16xi32> to vector<16xi32>
          %parallel_loop3A_796 = arith.minui %parallel_loop3A_795, %broadcast_in_dim3A_127 : vector<16xi32>
          %parallel_loop3A_797 = vector.bitcast %parallel_loop3A_796 : vector<16xi32> to vector<16xi32>
          %parallel_loop3A_798 = tpu.vector_load_idx %arg6[%parallel_loop3A_797] : memref<8208xi32, #tpu.memory_space<vmem>>[vector<16xi32>], vector<16xi32>,
          %parallel_loop3A_799 = arith.addi %parallel_loop3A_785, %parallel_loop3A_798 : vector<16xi32>
          %parallel_loop3A_800 = arith.constant 16 : i32
          %parallel_loop3A_801 = arith.muli %scan3A_287, %parallel_loop3A_800 : i32
          %parallel_loop3A_802 = arith.constant 1 : i32
          %parallel_loop3A_803 = arith.constant 31 : i32
          %parallel_loop3A_804 = arith.index_cast %parallel_loop3A_802 : i32 to index
          %parallel_loop3A_805 = arith.index_cast %parallel_loop3A_330 : i32 to index
          %parallel_loop3A_806 = arith.index_cast %parallel_loop3A_803 : i32 to index
          %parallel_loop3A_807 = arith.index_cast %parallel_loop3A_801 : i32 to index
          %parallel_loop3A_808 = tpu.vector_load %arg7[%parallel_loop3A_804, %parallel_loop3A_805, %parallel_loop3A_806, %parallel_loop3A_807] {strides = array<i32>} : memref<2x8x32x64xi32, #tpu.memory_space<vmem>>, vector<16xi32>,
          %parallel_loop3A_809 = vector.bitcast %parallel_loop3A_808 : vector<16xi32> to vector<16xi32>
          %parallel_loop3A_810 = arith.minui %parallel_loop3A_809, %broadcast_in_dim3A_127 : vector<16xi32>
          %parallel_loop3A_811 = vector.bitcast %parallel_loop3A_810 : vector<16xi32> to vector<16xi32>
          %parallel_loop3A_812 = tpu.vector_load_idx %arg6[%parallel_loop3A_811] : memref<8208xi32, #tpu.memory_space<vmem>>[vector<16xi32>], vector<16xi32>,
          %parallel_loop3A_813 = arith.addi %parallel_loop3A_799, %parallel_loop3A_812 : vector<16xi32>
          %parallel_loop3A_814 = arith.constant 252645135 : i32
          %parallel_loop3A_815 = vector.broadcast %parallel_loop3A_814 : i32 to vector<16xi32>
          %parallel_loop3A_816 = arith.andi %parallel_loop3A_813, %parallel_loop3A_815 : vector<16xi32>
          %parallel_loop3A_817 = arith.addi %parallel_loop3A_694, %parallel_loop3A_816 : vector<16xi32>
          %parallel_loop3A_818 = arith.constant 4 : i32
          %parallel_loop3A_819 = vector.broadcast %parallel_loop3A_818 : i32 to vector<16xi32>
          %parallel_loop3A_820 = arith.shrsi %parallel_loop3A_813, %parallel_loop3A_819 : vector<16xi32>
          %parallel_loop3A_821 = arith.constant 252645135 : i32
          %parallel_loop3A_822 = vector.broadcast %parallel_loop3A_821 : i32 to vector<16xi32>
          %parallel_loop3A_823 = arith.andi %parallel_loop3A_820, %parallel_loop3A_822 : vector<16xi32>
          %parallel_loop3A_824 = arith.addi %parallel_loop3A_701, %parallel_loop3A_823 : vector<16xi32>
          %parallel_loop3A_825 = arith.constant 2021161080 : i32
          %parallel_loop3A_826 = vector.broadcast %parallel_loop3A_825 : i32 to vector<16xi32>
          %parallel_loop3A_827 = arith.addi %parallel_loop3A_817, %parallel_loop3A_826 : vector<16xi32>
          %parallel_loop3A_828 = arith.constant 7 : i32
          %parallel_loop3A_829 = vector.broadcast %parallel_loop3A_828 : i32 to vector<16xi32>
          %parallel_loop3A_830 = arith.shrsi %parallel_loop3A_827, %parallel_loop3A_829 : vector<16xi32>
          %parallel_loop3A_831 = arith.constant 16843009 : i32
          %parallel_loop3A_832 = vector.broadcast %parallel_loop3A_831 : i32 to vector<16xi32>
          %parallel_loop3A_833 = arith.andi %parallel_loop3A_830, %parallel_loop3A_832 : vector<16xi32>
          %parallel_loop3A_834 = arith.addi %parallel_loop3A_331, %parallel_loop3A_833 : vector<16xi32>
          %parallel_loop3A_835 = arith.constant 2021161080 : i32
          %parallel_loop3A_836 = vector.broadcast %parallel_loop3A_835 : i32 to vector<16xi32>
          %parallel_loop3A_837 = arith.addi %parallel_loop3A_824, %parallel_loop3A_836 : vector<16xi32>
          %parallel_loop3A_838 = arith.constant 7 : i32
          %parallel_loop3A_839 = vector.broadcast %parallel_loop3A_838 : i32 to vector<16xi32>
          %parallel_loop3A_840 = arith.shrsi %parallel_loop3A_837, %parallel_loop3A_839 : vector<16xi32>
          %parallel_loop3A_841 = arith.constant 16843009 : i32
          %parallel_loop3A_842 = vector.broadcast %parallel_loop3A_841 : i32 to vector<16xi32>
          %parallel_loop3A_843 = arith.andi %parallel_loop3A_840, %parallel_loop3A_842 : vector<16xi32>
          %parallel_loop3A_844 = arith.addi %parallel_loop3A_332, %parallel_loop3A_843 : vector<16xi32>
          scf.yield %parallel_loop3A_834, %parallel_loop3A_844 : vector<16xi32>, vector<16xi32>
        } {sc.loop_unroll_factor = 1 : i64, sc.parallel_access}
        %mul3A_303 = arith.constant 64 : i32
        %mul3A_304 = arith.muli %scan3A_136, %mul3A_303 : i32
        %mul3A_305 = arith.constant 16 : i32
        %mul3A_306 = arith.muli %scan3A_287, %mul3A_305 : i32
        %add3A_307 = arith.addi %mul3A_304, %mul3A_306 : i32
        %add3A_308 = arith.constant 2088533116 : i32
        %add3A_309 = vector.broadcast %add3A_308 : i32 to vector<16xi32>
        %add3A_310 = arith.addi %parallel_loop3A_302#0, %add3A_309 : vector<16xi32>
        %shift_right_arithmetic3A = arith.constant 7 : i32
        %shift_right_arithmetic3A_311 = vector.broadcast %shift_right_arithmetic3A : i32 to vector<16xi32>
        %shift_right_arithmetic3A_312 = arith.shrsi %add3A_310, %shift_right_arithmetic3A_311 : vector<16xi32>
        %and3A_313 = arith.constant 16843009 : i32
        %and3A_314 = vector.broadcast %and3A_313 : i32 to vector<16xi32>
        %and3A_315 = arith.andi %shift_right_arithmetic3A_312, %and3A_314 : vector<16xi32>
        %swap3A_316 = arith.index_cast %add3A_307 : i32 to index
        %swap3A_317 = tpu.vector_load %arg9[%swap3A_316] {strides = array<i32>} : memref<256xi32, #tpu.memory_space<vmem>>, vector<16xi32>,
        tpu.vector_store %arg9[%swap3A_316], %and3A_315 {strides = array<i32>} : memref<256xi32, #tpu.memory_space<vmem>>, vector<16xi32>,
        %add3A_318 = arith.constant 2088533116 : i32
        %add3A_319 = vector.broadcast %add3A_318 : i32 to vector<16xi32>
        %add3A_320 = arith.addi %parallel_loop3A_302#1, %add3A_319 : vector<16xi32>
        %shift_right_arithmetic3A_321 = arith.constant 7 : i32
        %shift_right_arithmetic3A_322 = vector.broadcast %shift_right_arithmetic3A_321 : i32 to vector<16xi32>
        %shift_right_arithmetic3A_323 = arith.shrsi %add3A_320, %shift_right_arithmetic3A_322 : vector<16xi32>
        %and3A_324 = arith.constant 16843009 : i32
        %and3A_325 = vector.broadcast %and3A_324 : i32 to vector<16xi32>
        %and3A_326 = arith.andi %shift_right_arithmetic3A_323, %and3A_325 : vector<16xi32>
        %swap3A_327 = arith.index_cast %add3A_307 : i32 to index
        %swap3A_328 = tpu.vector_load %arg10[%swap3A_327] {strides = array<i32>} : memref<256xi32, #tpu.memory_space<vmem>>, vector<16xi32>,
        tpu.vector_store %arg10[%swap3A_327], %and3A_326 {strides = array<i32>} : memref<256xi32, #tpu.memory_space<vmem>>, vector<16xi32>,
        %scan3A_329 = arith.constant 0 : i32
        scf.yield %scan3A_329 : i32
      }
      %scan3A_279 = arith.constant 4 : i32
      %add3A_280 = arith.constant 1 : i32
      %add3A_281 = arith.addi %scan3A_136, %add3A_280 : i32
      %lt3A_282 = arith.constant 4 : i32
      %lt3A_283 = arith.cmpi slt, %add3A_281, %lt3A_282 : i32
      %convert_element_type3A_284 = arith.extui %lt3A_283 : i1 to i32
      %cond3A_285 = arith.constant 0 : i32
      %cond3A_286 = arith.cmpi ne, %convert_element_type3A_284, %cond3A_285 : i32
      scf.if %cond3A_286 {
        %add3A_287 = arith.constant 1 : i32
        %add3A_288 = arith.addi %scan3A_136, %add3A_287 : i32
        %add3A_289 = arith.addi %mul3A_2, %add3A_288 : i32
        %jit3A_290 = arith.constant 8 : i32
        %div3A_291 = arith.divsi %add3A_289, %jit3A_290 : i32
        %sign3A_292 = arith.constant 0 : i32
        %sign3A_293 = arith.cmpi sgt, %add3A_289, %sign3A_292 : i32
        %sign3A_294 = arith.extui %sign3A_293 : i1 to i32
        %sign3A_295 = arith.constant 0 : i32
        %sign3A_296 = arith.cmpi slt, %add3A_289, %sign3A_295 : i32
        %sign3A_297 = arith.extui %sign3A_296 : i1 to i32
        %sign3A_298 = arith.subi %sign3A_294, %sign3A_297 : i32
        %sign3A_299 = arith.constant 0 : i32
        %sign3A_300 = arith.cmpi sgt, %jit3A_290, %sign3A_299 : i32
        %sign3A_301 = arith.extui %sign3A_300 : i1 to i32
        %sign3A_302 = arith.constant 0 : i32
        %sign3A_303 = arith.cmpi slt, %jit3A_290, %sign3A_302 : i32
        %sign3A_304 = arith.extui %sign3A_303 : i1 to i32
        %sign3A_305 = arith.subi %sign3A_301, %sign3A_304 : i32
        %ne3A_306 = arith.cmpi ne, %sign3A_298, %sign3A_305 : i32
        %rem3A_307 = arith.remsi %add3A_289, %jit3A_290 : i32
        %ne3A_308 = arith.constant 0 : i32
        %ne3A_309 = arith.cmpi ne, %rem3A_307, %ne3A_308 : i32
        %and3A_310 = arith.andi %ne3A_306, %ne3A_309 : i1
        %sub3A_311 = arith.constant 1 : i32
        %sub3A_312 = arith.subi %div3A_291, %sub3A_311 : i32
        %select_n3A_313 = arith.select %and3A_310, %sub3A_312, %div3A_291 : i32
        %jit3A_314 = arith.constant 8 : i32
        %eq3A_315 = arith.constant 0 : i32
        %eq3A_316 = arith.cmpi eq, %jit3A_314, %eq3A_315 : i32
        %jit3A_317 = arith.constant 1 : i32
        %select_n3A_318 = arith.select %eq3A_316, %jit3A_317, %jit3A_314 : i32
        %rem3A_319 = arith.remsi %add3A_289, %select_n3A_318 : i32
        %ne3A_320 = arith.constant 0 : i32
        %ne3A_321 = arith.cmpi ne, %rem3A_319, %ne3A_320 : i32
        %lt3A_322 = arith.constant 0 : i32
        %lt3A_323 = arith.cmpi slt, %rem3A_319, %lt3A_322 : i32
        %lt3A_324 = arith.constant 0 : i32
        %lt3A_325 = arith.cmpi slt, %select_n3A_318, %lt3A_324 : i32
        %ne3A_326 = arith.xori %lt3A_323, %lt3A_325 : i1
        %and3A_327 = arith.andi %ne3A_326, %ne3A_321 : i1
        %add3A_328 = arith.addi %rem3A_319, %select_n3A_318 : i32
        %select_n3A_329 = arith.select %and3A_327, %add3A_328, %rem3A_319 : i32
        %dma_start3A_330 = arith.constant 1 : i32
        %dma_start3A_331 = arith.constant 0 : i32
        %dma_start3A_332 = arith.constant 0 : i32
        %dma_start3A_333 = arith.constant 0 : i32
        %dma_start3A_334 = tpu.memref_slice %arg7[%dma_start3A_330, %dma_start3A_331, %dma_start3A_332, %dma_start3A_333] : memref<2x8x32x64xi32, #tpu.memory_space<vmem>> -> memref<1x8x32x64xi32, #tpu.memory_space<vmem>>
        %dma_start3A_335 = tpu.memref_squeeze %dma_start3A_334 : memref<1x8x32x64xi32, #tpu.memory_space<vmem>> -> memref<8x32x64xi32, #tpu.memory_space<vmem>>
        %dma_start3A_336 = arith.constant 8 : i32
        %dma_start3A_337 = arith.constant 0 : i32
        %dma_start3A_338 = arith.constant 0 : i32
        %dma_start3A_339 = tpu.memref_slice %arg3[%select_n3A_313, %select_n3A_329, %dma_start3A_336, %dma_start3A_337, %dma_start3A_338] : memref<16x8x16x32x64xi32, #tpu.memory_space<hbm>> -> memref<1x1x8x32x64xi32, #tpu.memory_space<hbm>>
        %dma_start3A_340 = tpu.memref_squeeze %dma_start3A_339 : memref<1x1x8x32x64xi32, #tpu.memory_space<hbm>> -> memref<8x32x64xi32, #tpu.memory_space<hbm>>
        %dma_start3A_341 = arith.constant 0 : i32
        %dma_start3A_342 = arith.constant 0 : i32
        %dma_start3A_343 = arith.constant 0 : i32
        %dma_start3A_344 = tpu.memref_slice %arg7[%dma_start3A_330, %dma_start3A_341, %dma_start3A_342, %dma_start3A_343] : memref<2x8x32x64xi32, #tpu.memory_space<vmem>> -> memref<1x8x32x64xi32, #tpu.memory_space<vmem>>
        %dma_start3A_345 = tpu.memref_squeeze %dma_start3A_344 : memref<1x8x32x64xi32, #tpu.memory_space<vmem>> -> memref<8x32x64xi32, #tpu.memory_space<vmem>>
        %dma_start3A_346 = arith.constant 8 : i32
        %dma_start3A_347 = arith.constant 0 : i32
        %dma_start3A_348 = arith.constant 0 : i32
        %dma_start3A_349 = tpu.memref_slice %arg3[%select_n3A_313, %select_n3A_329, %dma_start3A_346, %dma_start3A_347, %dma_start3A_348] : memref<16x8x16x32x64xi32, #tpu.memory_space<hbm>> -> memref<1x1x8x32x64xi32, #tpu.memory_space<hbm>>
        %dma_start3A_350 = tpu.memref_squeeze %dma_start3A_349 : memref<1x1x8x32x64xi32, #tpu.memory_space<hbm>> -> memref<8x32x64xi32, #tpu.memory_space<hbm>>
        tpu.enqueue_dma source(%dma_start3A_350 : memref<8x32x64xi32, #tpu.memory_space<hbm>>) target(%dma_start3A_345 : memref<8x32x64xi32, #tpu.memory_space<vmem>>) target_semaphore(%arg13 : memref<!tpu.dma_semaphore, #tpu.memory_space<semaphore_mem>>)
      } else {
      }
    }
    %scan3A_133 = arith.constant 4 : i32
    %mul3A_134 = arith.constant 64 : i32
    %mul3A_135 = arith.muli %mul3A_2, %mul3A_134 : i32
    "tpu.region"() ({
      %run_scoped3A = tpu.sem_alloc : memref<!tpu.dma_semaphore, #tpu.memory_space<semaphore_mem>>
      %dma_start3A_136 = tpu.memref_slice %arg4[%mul3A_135] : memref<8192xi32, #tpu.memory_space<hbm>> -> memref<256xi32, #tpu.memory_space<hbm>>
      %dma_start3A_137 = tpu.memref_slice %arg4[%mul3A_135] : memref<8192xi32, #tpu.memory_space<hbm>> -> memref<256xi32, #tpu.memory_space<hbm>>
      tpu.enqueue_dma source(%arg9 : memref<256xi32, #tpu.memory_space<vmem>>) target(%dma_start3A_137 : memref<256xi32, #tpu.memory_space<hbm>>) target_semaphore(%run_scoped3A : memref<!tpu.dma_semaphore, #tpu.memory_space<semaphore_mem>>)
      %dma_wait3A_138 = tpu.memref_slice %arg4[%mul3A_135] : memref<8192xi32, #tpu.memory_space<hbm>> -> memref<256xi32, #tpu.memory_space<hbm>>
      %dma_wait3A_139 = tpu.memref_slice %arg4[%mul3A_135] : memref<8192xi32, #tpu.memory_space<hbm>> -> memref<256xi32, #tpu.memory_space<hbm>>
      tpu.wait_dma2 semaphore(%run_scoped3A : memref<!tpu.dma_semaphore, #tpu.memory_space<semaphore_mem>>) src(%arg9 : memref<256xi32, #tpu.memory_space<vmem>>) dst(%dma_wait3A_139 : memref<256xi32, #tpu.memory_space<hbm>>)
      tpu.yield
    }) : () -> ()
    "tpu.region"() ({
      %run_scoped3A = tpu.sem_alloc : memref<!tpu.dma_semaphore, #tpu.memory_space<semaphore_mem>>
      %dma_start3A_136 = tpu.memref_slice %arg5[%mul3A_135] : memref<8192xi32, #tpu.memory_space<hbm>> -> memref<256xi32, #tpu.memory_space<hbm>>
      %dma_start3A_137 = tpu.memref_slice %arg5[%mul3A_135] : memref<8192xi32, #tpu.memory_space<hbm>> -> memref<256xi32, #tpu.memory_space<hbm>>
      tpu.enqueue_dma source(%arg10 : memref<256xi32, #tpu.memory_space<vmem>>) target(%dma_start3A_137 : memref<256xi32, #tpu.memory_space<hbm>>) target_semaphore(%run_scoped3A : memref<!tpu.dma_semaphore, #tpu.memory_space<semaphore_mem>>)
      %dma_wait3A_138 = tpu.memref_slice %arg5[%mul3A_135] : memref<8192xi32, #tpu.memory_space<hbm>> -> memref<256xi32, #tpu.memory_space<hbm>>
      %dma_wait3A_139 = tpu.memref_slice %arg5[%mul3A_135] : memref<8192xi32, #tpu.memory_space<hbm>> -> memref<256xi32, #tpu.memory_space<hbm>>
      tpu.wait_dma2 semaphore(%run_scoped3A : memref<!tpu.dma_semaphore, #tpu.memory_space<semaphore_mem>>) src(%arg10 : memref<256xi32, #tpu.memory_space<vmem>>) dst(%dma_wait3A_139 : memref<256xi32, #tpu.memory_space<hbm>>)
      tpu.yield
    }) : () -> ()
    return
  }
}

</mosaic_0001>

<sc_bundles>
// kernel: kernel.3.cloned.1.call-start
scs
__scs_entry_jumppad:
0x0: {  	(pc) =	sbr.rel $0x88, $3  }
0x1: {  	(tag) =	ssettag $0x0;
	lr =	simm.s32 $0x1  }
0x2: {  	[smem:$0x3F9F] =	sst lr;
	_ =	strace $0xD0000000  }
0x3: {  	_ = 	snop  }
0x4: {  	_ = 	snop  }
0x5: {  	_ = 	snop  }
0x6: {  	_ = 	snop  }
0x7: {  	_ = 	snop  }
__scs_overlays_trampoline_lowered:
0x8: {  	[smem:$0x3FAE] =	sst s0  }
0x9: {  	[smem:$0x3FAF] =	sst s1  }
0xa: {  	[smem:$0x3FB0] =	sst s2  }
0xb: {  	[smem:$0x3FB1] =	sst s3  }
0xc: {  	[smem:$0x3FB2] =	sst s4  }
0xd: {  	[smem:$0x3FB3] =	sst s5  }
0xe: {  	[smem:$0x3FB4] =	sst s6  }
0xf: {  	[smem:$0x3FB5] =	sst s7  }
0x10: {  	[smem:$0x3FB6] =	sst s8  }
0x11: {  	[smem:$0x3FB7] =	sst s9;
	s0 =	simm.s32 @!p0 $0x0  }
0x12: {  	s1 =	sld [smem:$0x3F9D];
	s0 =	simm.s32 @p0 $0x1  }
0x13: {  	[smem:$0x3FB8] =	sst s0;
	s0 =	simm.s32 @!p1 $0x0  }
0x14: {  	s2 =	sld [smem:$0x3F9C];
	s0 =	simm.s32 @p1 $0x1  }
0x15: {  	[smem:$0x3FB9] =	sst s0;
	s0 =	simm.s32 @!p2 $0x0  }
0x16: {  	s3 =	sld [smem:$0x3FDB];
	s0 =	simm.s32 @p2 $0x1  }
0x17: {  	s4 =	simm.s32 $0x1BF5;
	[smem:$0x3FBB] =	sst s0  }
0x18: {  	s0 =	sld [smem:$0x3F9E];
	_ =	swait.ge [sflag:s4], $0x0  }
0x19: {  	s7 =	sld [smem:$0x3F9F]  }
0x1a: {  	s8 =	sadd.s32 $0xFFFFE003, lr  }
0x1b: {  	s9 =	sadd.s32 $0xFFFFFEF7, lr;
	s5 =	simm.s32 $0xFFFFFFFF;
	p2 =	slt.u32 s8, $0xFFFFF086  }
0x1c: {  	p1 =	slt.u32 s9, $0xF7A;
	s5 =	simm.s32 @!p2 $0x0  }
0x1d: {  	s5 =	simm.s32 @p1 $0x1;
	p0 =	seq.s32 s7, s2  }
0x1e: {  	s7 =	smul.u32 @!p0 $0xF7A, s2;
	p2 =	seq.s32 @!p0 s5, $0x0  }
0x1f: {  	s9 =	smul.u32 $0xF7A, s1;
	s8 =	simm.s32 @!p0 $0x1BF5;
	p2 =	por !p2, p0  }
0x20: {  	[sflag:s8] =	ssyncset.s32 @!p0 $0xFFFFF086;
	s6 =	sadd.s32 @!p0 s3, s7;
	s7 =	simm.s32 @!p0 $0x108  }
0x21: {  	s3 =	sadd.s32 s3, s9;
	s6 =	sadd.s32 @!p0 $0x88, s6;
	s7 =	simm.s32 @p2 $0x1082  }
0x22: {  	[simem:s7], [sflag:s8] =	dma.local @!p0 [hbm:s6], $0xF7A  }
0x23: {  	s9 =	sor.u32 $0xD0000000, s2;
	s6 =	simm.s32 $0x108;
	_ =	swait.ge @!p0 [sflag:s8], $0x0  }
0x24: {  	s3 =	sadd.s32 $0x88, s3;
	s6 =	simm.s32 @!p1 $0x1082;
	[sflag:s4] =	ssyncset.s32 $0xFFFFF086  }
0x25: {  	[simem:s6], [sflag:s4] =	dma.local [hbm:s3], $0xF7A  }
0x26: {  	[smem:$0x3F9F] =	sst s1;
	(tag) =	ssettag s2;
	_ =	strace s9  }
0x27: {  	s1 =	sld [smem:$0x3FAF]  }
0x28: {  	s2 =	sld [smem:$0x3FB0]  }
0x29: {  	s4 =	sld [smem:$0x3FB2]  }
0x2a: {  	p0 =	seq.s32 s5, $0x0;
	s5 =	sld [smem:$0x3FB3]  }
0x2b: {  	s6 =	sld [smem:$0x3FB4]  }
0x2c: {  	s7 =	sld [smem:$0x3FB5]  }
0x2d: {  	s3 =	simm.s32 $0x108;
	s8 =	sld [smem:$0x3FB6]  }
0x2e: {  	s3 =	simm.s32 @!p0 $0x1082;
	s9 =	sld [smem:$0x3FB7]  }
0x2f: {  	lr =	sadd.s32 s0, s3;
	s0 =	sld [smem:$0x3FAE]  }
0x30: {  	s3 =	sld [smem:$0x3FB1]  }
0x31: {  	[smem:$0x3FBA] =	sst s10  }
0x32: {  	s10 =	sld [smem:$0x3FB8];
	_ =	sdelay $0x3  }
0x33: {  	p0 =	seq.s32 s10, $0x1;
	s10 =	sld [smem:$0x3FBA];
	_ =	sdelay $0x3  }
0x34: {  	[smem:$0x3FBA] =	sst s10  }
0x35: {  	s10 =	sld [smem:$0x3FB9];
	_ =	sdelay $0x3  }
0x36: {  	p1 =	seq.s32 s10, $0x1;
	s10 =	sld [smem:$0x3FBA];
	_ =	sdelay $0x3  }
0x37: {  	[smem:$0x3FBA] =	sst s10  }
0x38: {  	s10 =	sld [smem:$0x3FBB]  }
0x39: {  	_ = 	snop;
	(pc) =	sbr.ind lr, $3  }
0x3a: {  	_ = 	snop  }
0x3b: {  	_ = 	snop  }
0x3c: {  	p2 =	seq.s32 s10, $0x1;
	s10 =	sld [smem:$0x3FBA]  }
0x3d: {  	_ =	shalt  }
0x3e: {  	_ =	shalt  }
0x3f: {  	_ =	shalt  }
0x40: {  	_ =	shalt  }
0x41: {  	_ =	shalt  }
0x42: {  	_ =	shalt  }
0x43: {  	_ =	shalt  }
0x44: {  	_ =	shalt  }
0x45: {  	_ =	shalt  }
0x46: {  	_ =	shalt  }
0x47: {  	_ =	shalt  }
0x48: {  	_ =	shalt  }
0x49: {  	_ =	shalt  }
0x4a: {  	_ =	shalt  }
0x4b: {  	_ =	shalt  }
0x4c: {  	_ =	shalt  }
0x4d: {  	_ =	shalt  }
0x4e: {  	_ =	shalt  }
0x4f: {  	_ =	shalt  }
0x50: {  	_ =	shalt  }
0x51: {  	_ =	shalt  }
0x52: {  	_ =	shalt  }
0x53: {  	_ =	shalt  }
0x54: {  	_ =	shalt  }
0x55: {  	_ =	shalt  }
0x56: {  	_ =	shalt  }
0x57: {  	_ =	shalt  }
0x58: {  	_ =	shalt  }
0x59: {  	_ =	shalt  }
0x5a: {  	_ =	shalt  }
0x5b: {  	_ =	shalt  }
0x5c: {  	_ =	shalt  }
0x5d: {  	_ =	shalt  }
0x5e: {  	_ =	shalt  }
0x5f: {  	_ =	shalt  }
0x60: {  	_ =	shalt  }
0x61: {  	_ =	shalt  }
0x62: {  	_ =	shalt  }
0x63: {  	_ =	shalt  }
0x64: {  	_ =	shalt  }
0x65: {  	_ =	shalt  }
0x66: {  	_ =	shalt  }
0x67: {  	_ =	shalt  }
0x68: {  	_ =	shalt  }
0x69: {  	_ =	shalt  }
0x6a: {  	_ =	shalt  }
0x6b: {  	_ =	shalt  }
0x6c: {  	_ =	shalt  }
0x6d: {  	_ =	shalt  }
0x6e: {  	_ =	shalt  }
0x6f: {  	_ =	shalt  }
0x70: {  	_ =	shalt  }
0x71: {  	_ =	shalt  }
0x72: {  	_ =	shalt  }
0x73: {  	_ =	shalt  }
0x74: {  	_ =	shalt  }
0x75: {  	_ =	shalt  }
0x76: {  	_ =	shalt  }
0x77: {  	_ =	shalt  }
0x78: {  	_ =	shalt  }
0x79: {  	_ =	shalt  }
0x7a: {  	_ =	shalt  }
0x7b: {  	_ =	shalt  }
0x7c: {  	_ =	shalt  }
0x7d: {  	_ =	shalt  }
0x7e: {  	_ =	shalt  }
0x7f: {  	_ =	shalt  }
0x80: {  	_ =	shalt  }
0x81: {  	_ =	shalt  }
0x82: {  	_ =	shalt  }
0x83: {  	_ =	shalt  }
0x84: {  	_ =	shalt  }
0x85: {  	_ =	shalt  }
0x86: {  	_ =	shalt  }
0x87: {  	_ =	shalt  }
.Lfunc_end0:
.L_simem_size_0:
called_computation_lowered:
.L_overlay_start_0:
0x88: {  	s2 =	sld [smem:$0x3FD9]  }
0x89: {  	s3 =	sld [smem:$0x3FFE];
	_ =	sdelay $0x1  }
0x8a: {  	s1 =	srdreg.scid  }
0x8b: {  	s0 =	sand.u32 $0x1, s1  }
0x8c: {  	s14 =	sshll.u32 s0, $0xA;
	s2 =	sadd.s32 s3, s2  }
0x8d: {  	s2 =	sadd.s32 s2, s14  }
0x8e: {  	[smem:$0x3FC6] =	sst s2  }
0x8f: {  	_ = 	snop  }
0x90: {  	s2 =	sld [smem:$0x3FD0];
	_ =	sdelay $0x2  }
0x91: {  	s4 =	simm.s32 $0xA;
	s5 =	simm.s32 $0x10;
	s15 =	sld [smem:$0x3FC8]  }
0x92: {  	[smem:s5], [sflag:s4] =	dma.local [hbm:s2], $0x1  }
0x93: {  	_ =	swait.eq [sflag:s4], $0x1  }
0x94: {  	[sflag:s4] =	ssyncset.done $0x0  }
0x95: {  	s16 =	sld [smem:$0x10];
	[sflag:s4] =	ssyncadd.s32 $0xFFFFFFFF  }
0x96: {  	s17 =	sld [smem:$0x12];
	(tm) =	ssettm $0x1  }
0x97: {  	s18 =	sld [smem:$0x3FFB];
	_ =	sdelay $0x3  }
0x98: {  	_ =	strace s18  }
0x99: {  	s5 =	sld [smem:$0x3FFC];
	_ =	sdelay $0x3  }
0x9a: {  	_ =	strace s5  }
0x9b: {  	s5 =	sld [smem:$0x3FFD];
	_ =	sdelay $0x3  }
0x9c: {  	_ =	strace s5  }
0x9d: {  	_ =	strace $0x8FFFFFFF  }
0x9e: {  	s19 =	sld [smem:$0x3FDB];
	_ =	sdelay $0x1  }
0x9f: {  	s6 =	simm.s32 $_scs_section_size  }
0xa0: {  	s7 =	simm.s32 $_size__tile_overlayer_lowered;
	s8 =	simm.s32 $_tile_overlayer_lowered  }
0xa1: {  	s22 =	simm.s32 $0x1BFF;
	s21 =	sshll.u32 s8, $0x1;
	s5 =	sadd.s32 s6, s19  }
0xa2: {  	s9 =	simm.s32 $0x0;
	s20 =	sshll.u32 s7, $0x1;
	s7 =	sadd.s32 s21, s5  }
0xa3: {  	[timem:s9], [sflag:s22] =	dma.local [hbm:s7], s20  }
0xa4: {  	_ =	swait.ge [sflag:s22], s20  }
0xa5: {  	s6 =	ssub.s32 $0x0, s20;
	[sflag:s22] =	ssyncset.done $0x0  }
0xa6: {  	[sflag:s22] =	ssyncadd.s32 s6;
	_ =	sdelay $0x1  }
0xa7: {  	s23 =	simm.s32 $0x1B8B  }
0xa8: {  	_ =	swait.ge [sflag:s23], $0x1  }
0xa9: {  	[sflag:s23] =	ssyncset.done $0x0  }
0xaa: {  	s25 =	simm.s32 $0x1B8E;
	s24 =	sld [smem:$0x3FFE];
	[sflag:s23] =	ssyncadd.s32 $0xFFFFFFFF  }
0xab: {  	s26 =	simm.s32 $execute0_lowered;
	[smem:$0x3FD2] =	sst s25  }
0xac: {  	s7 =	sshll.u32 s26, $0x1;
	_ =	strace $0x80000046;
	[dreg:$0x1] =	wrdreg $0xFFFFFFFF  }
0xad: {  	s28 =	simm.s32 $_size_execute0_lowered;
	s5 =	sadd.s32 s5, s7;
	[dreg:$0x0] =	wrdreg $0x0  }
0xae: {  	s7 =	sshll.u32 s28, $0x1;
	[dreg:$0x2] =	wrdreg s5  }
0xaf: {  	[dreg:$0x3] =	wrdreg s7  }
0xb0: {  	[dreg:$0x4] =	wrdreg $0xC0  }
0xb1: {  	_ =	task [dreg:s9], $0x5FFFF  }
0xb2: {  	[dreg:$0x1] =	wrdreg $0xFFFFFFFF  }
0xb3: {  	[dreg:$0x0] =	wrdreg $0x60  }
0xb4: {  	[dreg:$0x2] =	wrdreg s16  }
0xb5: {  	[dreg:$0x3] =	wrdreg s15  }
0xb6: {  	[dreg:$0x4] =	wrdreg s17  }
0xb7: {  	[dreg:$0x5] =	wrdreg s24  }
0xb8: {  	[dreg:$0x6] =	wrdreg $0x9  }
0xb9: {  	_ =	task.clear_ibuf [dreg:s9], $0x7FFFF;
	_ =	strace $0x90000046  }
0xba: {  	s29 =	simm.s32 $0x9;
	_ =	strace $0x80000048  }
0xbb: {  	_ =	swait.ge [sflag:s29], $0x1  }
0xbc: {  	[sflag:s29] =	ssyncadd.s32 $0xFFFFFFFF  }
0xbd: {  	_ =	strace $0x90000048  }
0xbe: {  	_ =	sfence  }
0xbf: {  	s30 =	sld [smem:$0x0];
	_ =	sdelay $0x2  }
0xc0: {  	s31 =	sshll.u32 s1, $0xD;
	s1 =	sshrl.u32 s1, $0x2  }
0xc1: {  	s3 =	sand.u32 $0x4000, s31;
	s1 =	sadd.s32 s1, s30  }
0xc2: {  	s0 =	sor.u32 s3, s0;
	s1 =	sshll.u32 s1, $0x11  }
0xc3: {  	s0 =	sor.u32 s1, s0  }
0xc4: {  	s0 =	sadd.s32 $0x8F2B, s0  }
0xc5: {  	[sflag:s0] =	ssyncadd.remote.s32 $0x1  }
0xc6: {  	_ =	sfence.sel $0xFFFF  }
0xc7: {  	[dreg:$0x0] =	wrdreg $0xFFFFFFFF;
	(pc) =	sbr.abs _section_cstart, $3  }
0xc8: {  	[dreg:$0x1] =	wrdreg $0xFFFFFFFF  }
0xc9: {  	_ =	task.clear_ibuf [dreg:s9], $0x2FFFF;
	_ =	strace $0x9FFFFFFF  }
0xca: {  	(tm) =	ssettm $0x7FFFFFFF  }
0xcb: {  	_ =	shalt  }
tec
execute0_lowered:
.L_overlay_start_1:
0x0: {  	(tag) =	ssettag $0x1  }
0x1: {  	s1 =	rddreg [dreg:$0x0]  }
0x2: {  	s2 =	rddreg [dreg:$0x1]  }
0x3: {  	s9 =	rddreg [dreg:$0x2]  }
0x4: {  	s3 =	srdreg.scid;
	s0 =	stileid.u32  }
0x5: {  	s5 =	rddreg [dreg:$0x3];
	s4 =	simm.s32 $0x0;
	s14 =	simm.s32 $0x1  }
0x6: {  	s15 =	simm.s32 $0x2;
	s16 =	simm.s32 $0x3;
	s17 =	simm.s32 $0x12180  }
0x7: {  	s18 =	simm.s32 $0x4;
	s19 =	simm.s32 $0x12280;
	s20 =	simm.s32 $0x0  }
0x8: {  	s6 =	sand.u32 $0x1, s3;
	s7 =	sshll.u32 s0, $0x1;
	s3 =	rddreg [dreg:$0x4]  }
0x9: {  	[smem:$0x7FF] =	sst s4;
	s12 =	sshll.u32 s0, $0x10;
	s7 =	sor.u32 s6, s7  }
0xa: {  	_ =	strace $0x80000047;
	s30 =	ssub.s32 $0x2, s6;
	s6 =	sshll.u32 s6, $0xF  }
.Ltmp0:
0xb: {  	s10 =	sshll.u32 s7, $0x5;
	s8 =	sshrl.u32 s30, $0x1;
	(pc) =	sbr.rel .LBB2_1-.Ltmp0, $4  }
0xc: {  	s31 =	sor.u32 s6, s12;
	s6 =	sshll.u32 s7, $0x2;
	s12 =	simm.s32 $0x2080  }
0xd: {  	s11 =	sadd.s32 s10, s5;
	s13 =	ssub.s32 s30, s8;
	s5 =	sadd.s32 $0x1000, s2  }
0xe: {  	s7 =	sadd.s32 s2, s31;
	s9 =	sadd.s32 s9, s10;
	s8 =	sadd.s32 s31, s5  }
0xf: {  	v0 =	vimm.s32 $0x0;
	s10 =	sadd.s32 $0x800, s11;
	s11 =	smax.u32 s13, $0x1;
	s13 =	simm.s32 $0xA080  }
.LBB2_12:
0x10: {  	[hbm4b:s9+s4] =	stream.linear.scatter [tilespmem:s17], [sflag:$0x4], $0x100, $0x38;
	[tilespmem:$0x12380] =	vst v63  }
0x11: {  	s20 =	sadd.s32 $0x1, s20;
	_ =	swait.ge [sflag:s18], $0x100  }
0x12: {  	p0 =	sne.s32 s20, s11;
	[sflag:s18] =	ssyncset.done $0x0  }
.Ltmp1:
0x13: {  	[sflag:s18] =	ssyncadd.s32 $0xFFFFFF00;
	(pc) =	sbr.rel @!p0 .LBB2_13-.Ltmp1, $4  }
0x14: {  	[hbm4b:s10+s4] =	stream.linear.scatter [tilespmem:s19], [sflag:$0x4], $0x100, $0x38;
	[tilespmem:$0x12380] =	vst v63  }
0x15: {  	_ =	swait.ge [sflag:s18], $0x100  }
0x16: {  	[sflag:s18] =	ssyncset.done $0x0  }
0x17: {  	[sflag:s18] =	ssyncadd.s32 $0xFFFFFF00  }
.LBB2_1:
0x18: {  	[tilespmem:s4], [sflag:$0x1] =	stream.linear.gather [hbm4b:s1+s4], $0x2000, $0x38;
	[tilespmem:$0x12380] =	vst v63  }
0x19: {  	_ = 	snop  }
0x1a: {  	[tilespmem:s12], [sflag:$0x2] =	stream.linear.gather [hbm4b:s7+s4], $0x8000, $0x38;
	[tilespmem:$0x12380] =	vst v63  }
0x1b: {  	_ = 	snop  }
0x1c: {  	[tilespmem:s13], [sflag:$0x3] =	stream.linear.gather [hbm4b:s8+s4], $0x8000, $0x38;
	[tilespmem:$0x12380] =	vst v63  }
0x1d: {  	_ =	swait.ge [sflag:s14], $0x2000  }
0x1e: {  	[sflag:s14] =	ssyncset.done $0x0  }
0x1f: {  	[sflag:s14] =	ssyncadd.s32 $0xFFFFE000  }
0x20: {  	s22 =	simm.s32 $0x0;
	[tilespmem:$0x2000] =	vst v0  }
.LBB2_2:
0x21: {  	_ =	swait.ge [sflag:s15], $0x8000  }
0x22: {  	[sflag:s15] =	ssyncset.done $0x0  }
0x23: {  	s21 =	simm.s32 $0x0;
	s23 =	simm.s32 $0x2880;
	[sflag:s15] =	ssyncadd.s32 $0xFFFF8000  }
.LBB2_3:
0x24: {  	v3 =	vmov s23;
	_ =	sdelay $0x3  }
0x25: {  	s24 =	simm.s32 $0x0  }
0x26: {  	v1 =	vld.idx.msk [tilespmem:v3+s24+$0x780 ss:$0x1], $0xffff  }
0x27: {  	v4 =	vld.idx.msk [tilespmem:v3+s24+$0x380 ss:$0x1], $0xffff  }
0x28: {  	v2 =	vld.idx.msk [tilespmem:v3+s24+$0x700 ss:$0x1], $0xffff  }
0x29: {  	v7 =	vld.idx.msk [tilespmem:v3+s24+$0xFFFFFB80 ss:$0x1], $0xffff  }
0x2a: {  	v5 =	vld.idx.msk [tilespmem:v3+s24+$0xFFFFFF80 ss:$0x1], $0xffff  }
0x2b: {  	v8 =	vld.idx.msk [tilespmem:v3+s24+$0x300 ss:$0x1], $0xffff  }
0x2c: {  	v10 =	vld.idx.msk [tilespmem:v3+s24+$0x680 ss:$0x1], $0xffff  }
0x2d: {  	v11 =	vld.idx.msk [tilespmem:v3+s24+$0xFFFFFB00 ss:$0x1], $0xffff  }
0x2e: {  	v6 =	vld.idx.msk [tilespmem:v3+s24+$0xFFFFFF00 ss:$0x1], $0xffff  }
0x2f: {  	v12 =	vld.idx.msk [tilespmem:v3+s24+$0x280 ss:$0x1], $0xffff  }
0x30: {  	v15 =	vld.idx.msk [tilespmem:v3+s24+$0x600 ss:$0x1], $0xffff  }
0x31: {  	v16 =	vld.idx.msk [tilespmem:v3+s24+$0xFFFFFA80 ss:$0x1], $0xffff  }
0x32: {  	v9 =	vld.idx.msk [tilespmem:v3+s24+$0xFFFFFE80 ss:$0x1], $0xffff  }
0x33: {  	v17 =	vld.idx.msk [tilespmem:v3+s24+$0x200 ss:$0x1], $0xffff  }
0x34: {  	v19 =	vld.idx.msk [tilespmem:v3+s24+$0x580 ss:$0x1], $0xffff  }
0x35: {  	v14 =	vld.idx.msk [tilespmem:v3+s24+$0xFFFFFA00 ss:$0x1], $0xffff  }
0x36: {  	v13 =	vld.idx.msk [tilespmem:v3+s24+$0xFFFFFE00 ss:$0x1], $0xffff  }
0x37: {  	v20 =	vld.idx.msk [tilespmem:v3+s24+$0x180 ss:$0x1], $0xffff  }
0x38: {  	v22 =	vld.idx.msk [tilespmem:v3+s24+$0x500 ss:$0x1], $0xffff  }
0x39: {  	v30 =	vld.idx.msk [tilespmem:v3+s24+$0xFFFFF980 ss:$0x1], $0xffff  }
0x3a: {  	v18 =	vld.idx.msk [tilespmem:v3+s24+$0xFFFFFD80 ss:$0x1], $0xffff  }
0x3b: {  	v31 =	vld.idx.msk [tilespmem:v3+s24+$0x100 ss:$0x1], $0xffff  }
0x3c: {  	v33 =	vld.idx.msk [tilespmem:v3+s24+$0x400 ss:$0x1], $0xffff  }
0x3d: {  	v34 =	vld.idx.msk [tilespmem:v3+s24+$0x480 ss:$0x1], $0xffff  }
0x3e: {  	v36 =	vld.idx.msk [tilespmem:v3+s24+$0xFFFFF900 ss:$0x1], $0xffff  }
0x3f: {  	v21 =	vld.idx.msk [tilespmem:v3+s24+$0xFFFFFD00 ss:$0x1], $0xffff  }
0x40: {  	v25 =	vld.idx.msk [tilespmem:v3+s24+$0x0 ss:$0x1], $0xffff  }
0x41: {  	v26 =	vld.idx.msk [tilespmem:v3+s24+$0x80 ss:$0x1], $0xffff;
	v1 =	vmin.u32 v1, $0x2000  }
0x42: {  	v27 =	vld.idx.msk [tilespmem:v3+s24+$0xFFFFF800 ss:$0x1], $0xffff;
	v2 =	vmin.u32 v2, $0x2000  }
0x43: {  	v28 =	vld.idx.msk [tilespmem:v3+s24+$0xFFFFF880 ss:$0x1], $0xffff;
	v23 =	vmin.u32 v7, $0x2000  }
0x44: {  	v24 =	vld.idx.msk [tilespmem:v3+s24+$0xFFFFFC00 ss:$0x1], $0xffff;
	v32 =	vmin.u32 v8, $0x2000  }
0x45: {  	v29 =	vld.idx.msk [tilespmem:v3+s24+$0xFFFFFC80 ss:$0x1], $0xffff;
	v35 =	vmin.u32 v10, $0x2000  }
0x46: {  	v37 =	vmin.u32 v11, $0x2000;
	v7 =	vld.idx.msk [tilespmem:v1+s4+$0x0], $0xffff  }
0x47: {  	v61 =	vmin.u32 v17, $0x2000;
	v10 =	vld.idx.msk [tilespmem:v2+s4+$0x0], $0xffff  }
0x48: {  	v63 =	vmin.u32 v20, $0x2000;
	v8 =	vld.idx.msk [tilespmem:v23+s4+$0x0], $0xffff  }
0x49: {  	v38 =	vmin.u32 v22, $0x2000;
	v11 =	vld.idx.msk [tilespmem:v32+s4+$0x0], $0xffff  }
0x4a: {  	v1 =	vmin.u32 v12, $0x2000;
	v2 =	vmin.u32 v15, $0x2000;
	v15 =	vld.idx.msk [tilespmem:v35+s4+$0x0], $0xffff  }
0x4b: {  	v12 =	vld.idx.msk [tilespmem:v37+s4+$0x0], $0xffff  }
0x4c: {  	v23 =	vmin.u32 v16, $0x2000;
	v20 =	vld.idx.msk [tilespmem:v61+s4+$0x0], $0xffff  }
0x4d: {  	v62 =	vmin.u32 v19, $0x2000;
	v22 =	vld.idx.msk [tilespmem:v63+s4+$0x0], $0xffff  }
0x4e: {  	v35 =	vmin.u32 v30, $0x2000;
	v30 =	vld.idx.msk [tilespmem:v38+s4+$0x0], $0xffff  }
0x4f: {  	v32 =	vmin.u32 v31, $0x2000;
	v16 =	vld.idx.msk [tilespmem:v1+s4+$0x0], $0xffff  }
0x50: {  	v31 =	vmin.u32 v33, $0x2000;
	v19 =	vld.idx.msk [tilespmem:v2+s4+$0x0], $0xffff  }
0x51: {  	v33 =	vmin.u32 v34, $0x2000;
	v17 =	vld.idx.msk [tilespmem:v23+s4+$0x0], $0xffff  }
0x52: {  	s25 =	simm.s32 $0x4000;
	s24 =	sshll.u32 s21, $0x4;
	v34 =	vmin.u32 v36, $0x2000;
	v1 =	vimm.s32 $0x0;
	v23 =	vld.idx.msk [tilespmem:v62+s4+$0x0], $0xffff;
	v2 =	vimm.s32 $0x0  }
.LBB2_4:
0x53: {  	p0 =	sne.s32 s25, $0x1C000;
	v35 =	vld.idx.msk [tilespmem:v35+s4+$0x0], $0xffff;
	v25 =	vmin.u32 v25, $0x2000  }
0x54: {  	v26 =	vmin.u32 v26, $0x2000;
	v32 =	vld.idx.msk [tilespmem:v32+s4+$0x0], $0xffff  }
0x55: {  	v27 =	vmin.u32 v27, $0x2000;
	v31 =	vld.idx.msk [tilespmem:v31+s4+$0x0], $0xffff  }
0x56: {  	v28 =	vmin.u32 v28, $0x2000;
	v33 =	vld.idx.msk [tilespmem:v33+s4+$0x0], $0xffff  }
0x57: {  	v24 =	vmin.u32 v24, $0x2000;
	v34 =	vld.idx.msk [tilespmem:v34+s4+$0x0], $0xffff  }
0x58: {  	v29 =	vmin.u32 v29, $0x2000;
	v25 =	vld.idx.msk [tilespmem:v25+s4+$0x0], $0xffff  }
0x59: {  	v21 =	vmin.u32 v21, $0x2000;
	v26 =	vld.idx.msk [tilespmem:v26+s4+$0x0], $0xffff  }
0x5a: {  	v18 =	vmin.u32 v18, $0x2000;
	v27 =	vld.idx.msk [tilespmem:v27+s4+$0x0], $0xffff  }
0x5b: {  	v14 =	vmin.u32 v14, $0x2000;
	v28 =	vld.idx.msk [tilespmem:v28+s4+$0x0], $0xffff  }
0x5c: {  	v13 =	vmin.u32 v13, $0x2000;
	v24 =	vld.idx.msk [tilespmem:v24+s4+$0x0], $0xffff  }
0x5d: {  	v9 =	vmin.u32 v9, $0x2000;
	v29 =	vld.idx.msk [tilespmem:v29+s4+$0x0], $0xffff  }
0x5e: {  	v6 =	vmin.u32 v6, $0x2000;
	v21 =	vld.idx.msk [tilespmem:v21+s4+$0x0], $0xffff  }
0x5f: {  	v5 =	vmin.u32 v5, $0x2000;
	v18 =	vld.idx.msk [tilespmem:v18+s4+$0x0], $0xffff  }
0x60: {  	v4 =	vmin.u32 v4, $0x2000;
	v14 =	vld.idx.msk [tilespmem:v14+s4+$0x0], $0xffff  }
0x61: {  	v13 =	vld.idx.msk [tilespmem:v13+s4+$0x0], $0xffff  }
0x62: {  	v25 =	vadd.s32 v25, v26;
	v26 =	vadd.s32 v31, v33;
	v27 =	vadd.s32 v27, v28;
	v9 =	vld.idx.msk [tilespmem:v9+s4+$0x0], $0xffff  }
0x63: {  	v25 =	vadd.s32 v32, v25;
	v26 =	vadd.s32 v30, v26;
	v24 =	vadd.s32 v24, v29;
	v6 =	vld.idx.msk [tilespmem:v6+s4+$0x0], $0xffff  }
0x64: {  	v27 =	vadd.s32 v34, v27;
	v21 =	vadd.s32 v21, v24;
	v24 =	vld.idx.msk [tilespmem:v5+s4+$0x0], $0xffff;
	v5 =	vadd.s32 v23, v26  }
0x65: {  	s26 =	sshra.s32 s25, $0x2;
	v23 =	vadd.s32 v35, v27;
	v18 =	vadd.s32 v18, v21;
	v21 =	vadd.s32 v22, v25;
	v22 =	vld.idx.msk [tilespmem:v4+s4+$0x0], $0xffff  }
0x66: {  	v14 =	vadd.s32 v14, v23;
	v20 =	vadd.s32 v20, v21;
	v5 =	vadd.s32 v19, v5;
	v27 =	vld.idx.msk [tilespmem:v3+s26+$0x780 ss:$0x1], $0xffff  }
0x67: {  	v13 =	vadd.s32 v13, v18;
	v16 =	vadd.s32 v16, v20;
	v5 =	vadd.s32 v15, v5;
	v4 =	vld.idx.msk [tilespmem:v3+s26+$0x380 ss:$0x1], $0xffff  }
0x68: {  	v14 =	vadd.s32 v17, v14;
	v9 =	vadd.s32 v9, v13;
	v10 =	vadd.s32 v10, v5;
	v15 =	vld.idx.msk [tilespmem:v3+s26+$0x700 ss:$0x1], $0xffff  }
0x69: {  	v12 =	vadd.s32 v12, v14;
	v6 =	vadd.s32 v6, v9;
	v9 =	vadd.s32 v11, v16;
	v17 =	vld.idx.msk [tilespmem:v3+s26+$0xFFFFFB80 ss:$0x1], $0xffff  }
0x6a: {  	v8 =	vadd.s32 v8, v12;
	v7 =	vadd.s32 v7, v10;
	v11 =	vadd.s32 v24, v6;
	v5 =	vld.idx.msk [tilespmem:v3+s26+$0xFFFFFF80 ss:$0x1], $0xffff  }
0x6b: {  	v6 =	vshrl.u32 v8, $0x4;
	v12 =	vshrl.u32 v11, $0x4;
	v9 =	vadd.s32 v22, v9;
	v10 =	vld.idx.msk [tilespmem:v3+s26+$0x300 ss:$0x1], $0xffff  }
0x6c: {  	v6 =	vand.u32 $0xF0F0F0F, v6;
	v12 =	vand.u32 $0xF0F0F0F, v12;
	v13 =	vshrl.u32 v9, $0x4;
	v16 =	vld.idx.msk [tilespmem:v3+s26+$0x680 ss:$0x1], $0xffff  }
0x6d: {  	v14 =	vshrl.u32 v7, $0x4;
	v13 =	vand.u32 $0xF0F0F0F, v13;
	v12 =	vadd.s32 v12, v6;
	v19 =	vld.idx.msk [tilespmem:v3+s26+$0xFFFFFB00 ss:$0x1], $0xffff  }
0x6e: {  	v8 =	vand.u32 $0xF0F0F0F, v8;
	v14 =	vand.u32 $0xF0F0F0F, v14;
	v12 =	vadd.s32 v13, v12;
	v6 =	vld.idx.msk [tilespmem:v3+s26+$0xFFFFFF00 ss:$0x1], $0xffff  }
0x6f: {  	v11 =	vand.u32 $0xF0F0F0F, v11;
	v9 =	vand.u32 $0xF0F0F0F, v9;
	v12 =	vadd.s32 v14, v12;
	v20 =	vld.idx.msk [tilespmem:v3+s26+$0x280 ss:$0x1], $0xffff  }
0x70: {  	v7 =	vand.u32 $0xF0F0F0F, v7;
	v8 =	vadd.s32 v11, v8;
	v11 =	vadd.s32 $0x78787878, v12;
	v22 =	vld.idx.msk [tilespmem:v3+s26+$0x600 ss:$0x1], $0xffff  }
0x71: {  	v8 =	vadd.s32 v9, v8;
	v11 =	vshrl.u32 v11, $0x7;
	v12 =	vld.idx.msk [tilespmem:v3+s26+$0xFFFFFA80 ss:$0x1], $0xffff  }
0x72: {  	v7 =	vadd.s32 v7, v8;
	v8 =	vand.u32 $0x1010101, v11;
	v9 =	vld.idx.msk [tilespmem:v3+s26+$0xFFFFFE80 ss:$0x1], $0xffff  }
0x73: {  	v7 =	vadd.s32 $0x78787878, v7;
	v1 =	vadd.s32 v1, v8;
	v23 =	vld.idx.msk [tilespmem:v3+s26+$0x200 ss:$0x1], $0xffff  }
0x74: {  	v7 =	vshrl.u32 v7, $0x7;
	v30 =	vld.idx.msk [tilespmem:v3+s26+$0x580 ss:$0x1], $0xffff  }
0x75: {  	v7 =	vand.u32 $0x1010101, v7;
	v14 =	vld.idx.msk [tilespmem:v3+s26+$0xFFFFFA00 ss:$0x1], $0xffff  }
0x76: {  	v2 =	vadd.s32 v2, v7;
	v13 =	vld.idx.msk [tilespmem:v3+s26+$0xFFFFFE00 ss:$0x1], $0xffff  }
0x77: {  	v31 =	vld.idx.msk [tilespmem:v3+s26+$0x180 ss:$0x1], $0xffff  }
0x78: {  	v32 =	vld.idx.msk [tilespmem:v3+s26+$0x500 ss:$0x1], $0xffff  }
0x79: {  	v33 =	vld.idx.msk [tilespmem:v3+s26+$0xFFFFF980 ss:$0x1], $0xffff  }
0x7a: {  	v18 =	vld.idx.msk [tilespmem:v3+s26+$0xFFFFFD80 ss:$0x1], $0xffff  }
0x7b: {  	v34 =	vld.idx.msk [tilespmem:v3+s26+$0x100 ss:$0x1], $0xffff  }
0x7c: {  	v36 =	vld.idx.msk [tilespmem:v3+s26+$0x400 ss:$0x1], $0xffff  }
0x7d: {  	v37 =	vld.idx.msk [tilespmem:v3+s26+$0x480 ss:$0x1], $0xffff  }
0x7e: {  	v38 =	vld.idx.msk [tilespmem:v3+s26+$0xFFFFF900 ss:$0x1], $0xffff  }
0x7f: {  	v21 =	vld.idx.msk [tilespmem:v3+s26+$0xFFFFFD00 ss:$0x1], $0xffff  }
0x80: {  	v25 =	vld.idx.msk [tilespmem:v3+s26+$0x0 ss:$0x1], $0xffff  }
0x81: {  	v7 =	vmin.u32 v27, $0x2000;
	v26 =	vld.idx.msk [tilespmem:v3+s26+$0x80 ss:$0x1], $0xffff  }
0x82: {  	v8 =	vmin.u32 v15, $0x2000;
	v27 =	vld.idx.msk [tilespmem:v3+s26+$0xFFFFF800 ss:$0x1], $0xffff  }
0x83: {  	v11 =	vmin.u32 v17, $0x2000;
	v28 =	vld.idx.msk [tilespmem:v3+s26+$0xFFFFF880 ss:$0x1], $0xffff  }
0x84: {  	v15 =	vmin.u32 v10, $0x2000;
	v24 =	vld.idx.msk [tilespmem:v3+s26+$0xFFFFFC00 ss:$0x1], $0xffff  }
0x85: {  	v16 =	vmin.u32 v16, $0x2000;
	v29 =	vld.idx.msk [tilespmem:v3+s26+$0xFFFFFC80 ss:$0x1], $0xffff  }
0x86: {  	v17 =	vmin.u32 v19, $0x2000;
	v7 =	vld.idx.msk [tilespmem:v7+s4+$0x0], $0xffff  }
0x87: {  	v19 =	vmin.u32 v20, $0x2000;
	v10 =	vld.idx.msk [tilespmem:v8+s4+$0x0], $0xffff  }
0x88: {  	v20 =	vmin.u32 v22, $0x2000;
	v8 =	vld.idx.msk [tilespmem:v11+s4+$0x0], $0xffff  }
0x89: {  	v22 =	vmin.u32 v12, $0x2000;
	v11 =	vld.idx.msk [tilespmem:v15+s4+$0x0], $0xffff  }
0x8a: {  	v23 =	vmin.u32 v23, $0x2000;
	v15 =	vld.idx.msk [tilespmem:v16+s4+$0x0], $0xffff  }
0x8b: {  	v30 =	vmin.u32 v30, $0x2000;
	v12 =	vld.idx.msk [tilespmem:v17+s4+$0x0], $0xffff  }
0x8c: {  	v39 =	vmin.u32 v31, $0x2000;
	v16 =	vld.idx.msk [tilespmem:v19+s4+$0x0], $0xffff  }
0x8d: {  	v40 =	vmin.u32 v32, $0x2000;
	v19 =	vld.idx.msk [tilespmem:v20+s4+$0x0], $0xffff  }
.Ltmp2:
0x8e: {  	v35 =	vmin.u32 v33, $0x2000;
	v17 =	vld.idx.msk [tilespmem:v22+s4+$0x0], $0xffff;
	(pc) =	sbr.rel @p0 .LBB2_4-.Ltmp2, $4  }
0x8f: {  	v32 =	vmin.u32 v34, $0x2000;
	v20 =	vld.idx.msk [tilespmem:v23+s4+$0x0], $0xffff  }
0x90: {  	v31 =	vmin.u32 v36, $0x2000;
	v23 =	vld.idx.msk [tilespmem:v30+s4+$0x0], $0xffff  }
0x91: {  	v33 =	vmin.u32 v37, $0x2000;
	v22 =	vld.idx.msk [tilespmem:v39+s4+$0x0], $0xffff  }
0x92: {  	s25 =	sadd.s32 $0x4000, s25;
	v34 =	vmin.u32 v38, $0x2000;
	v30 =	vld.idx.msk [tilespmem:v40+s4+$0x0], $0xffff  }
0x93: {  	_ =	sdelay $0x3  }
0x94: {  	v3 =	vld.idx.msk [tilespmem:v35+s4+$0x0], $0xffff;
	v25 =	vmin.u32 v25, $0x2000  }
0x95: {  	v26 =	vmin.u32 v26, $0x2000;
	v32 =	vld.idx.msk [tilespmem:v32+s4+$0x0], $0xffff  }
0x96: {  	v27 =	vmin.u32 v27, $0x2000;
	v31 =	vld.idx.msk [tilespmem:v31+s4+$0x0], $0xffff  }
0x97: {  	v28 =	vmin.u32 v28, $0x2000;
	v33 =	vld.idx.msk [tilespmem:v33+s4+$0x0], $0xffff  }
0x98: {  	v34 =	vld.idx.msk [tilespmem:v34+s4+$0x0], $0xffff;
	v24 =	vmin.u32 v24, $0x2000  }
0x99: {  	v29 =	vmin.u32 v29, $0x2000;
	v25 =	vld.idx.msk [tilespmem:v25+s4+$0x0], $0xffff  }
0x9a: {  	v21 =	vmin.u32 v21, $0x2000;
	v26 =	vld.idx.msk [tilespmem:v26+s4+$0x0], $0xffff  }
0x9b: {  	v18 =	vmin.u32 v18, $0x2000;
	v27 =	vld.idx.msk [tilespmem:v27+s4+$0x0], $0xffff  }
0x9c: {  	v14 =	vmin.u32 v14, $0x2000;
	v28 =	vld.idx.msk [tilespmem:v28+s4+$0x0], $0xffff  }
0x9d: {  	v13 =	vmin.u32 v13, $0x2000;
	v24 =	vld.idx.msk [tilespmem:v24+s4+$0x0], $0xffff  }
0x9e: {  	v9 =	vmin.u32 v9, $0x2000;
	v29 =	vld.idx.msk [tilespmem:v29+s4+$0x0], $0xffff  }
0x9f: {  	v6 =	vmin.u32 v6, $0x2000;
	v21 =	vld.idx.msk [tilespmem:v21+s4+$0x0], $0xffff  }
0xa0: {  	v5 =	vmin.u32 v5, $0x2000;
	v18 =	vld.idx.msk [tilespmem:v18+s4+$0x0], $0xffff  }
0xa1: {  	v4 =	vmin.u32 v4, $0x2000;
	v14 =	vld.idx.msk [tilespmem:v14+s4+$0x0], $0xffff  }
0xa2: {  	v13 =	vld.idx.msk [tilespmem:v13+s4+$0x0], $0xffff;
	v55 =	vadd.s32 v31, v33;
	v27 =	vadd.s32 v27, v28;
	v25 =	vadd.s32 v25, v26  }
0xa3: {  	v9 =	vld.idx.msk [tilespmem:v9+s4+$0x0], $0xffff;
	v24 =	vadd.s32 v24, v29;
	v26 =	vadd.s32 v30, v55;
	v25 =	vadd.s32 v32, v25  }
0xa4: {  	v6 =	vld.idx.msk [tilespmem:v6+s4+$0x0], $0xffff;
	v27 =	vadd.s32 v34, v27;
	v21 =	vadd.s32 v21, v24;
	v23 =	vadd.s32 v23, v26  }
0xa5: {  	v5 =	vld.idx.msk [tilespmem:v5+s4+$0x0], $0xffff;
	v3 =	vadd.s32 v3, v27;
	v18 =	vadd.s32 v18, v21;
	v56 =	vadd.s32 v22, v25  }
0xa6: {  	v4 =	vld.idx.msk [tilespmem:v4+s4+$0x0], $0xffff;
	v19 =	vadd.s32 v19, v23;
	v3 =	vadd.s32 v14, v3;
	v57 =	vadd.s32 v20, v56  }
0xa7: {  	v13 =	vadd.s32 v13, v18;
	v15 =	vadd.s32 v15, v19;
	v14 =	vadd.s32 v16, v57  }
0xa8: {  	v3 =	vadd.s32 v17, v3;
	v9 =	vadd.s32 v9, v13;
	v10 =	vadd.s32 v10, v15  }
0xa9: {  	v3 =	vadd.s32 v12, v3;
	v6 =	vadd.s32 v6, v9;
	v58 =	vadd.s32 v11, v14  }
0xaa: {  	v59 =	vadd.s32 v7, v10;
	v3 =	vadd.s32 v8, v3;
	v5 =	vadd.s32 v5, v6  }
0xab: {  	v4 =	vadd.s32 v4, v58;
	v10 =	vshrl.u32 v59, $0x4;
	v6 =	vand.u32 $0xF0F0F0F, v59  }
0xac: {  	v60 =	vshrl.u32 v3, $0x4;
	v61 =	vshrl.u32 v5, $0x4;
	v9 =	vshrl.u32 v4, $0x4  }
0xad: {  	v3 =	vand.u32 $0xF0F0F0F, v3;
	v5 =	vand.u32 $0xF0F0F0F, v5;
	v4 =	vand.u32 $0xF0F0F0F, v4  }
0xae: {  	v7 =	vand.u32 $0xF0F0F0F, v60;
	v8 =	vand.u32 $0xF0F0F0F, v61;
	v3 =	vadd.s32 v5, v3  }
0xaf: {  	v9 =	vand.u32 $0xF0F0F0F, v9;
	v62 =	vadd.s32 v8, v7;
	v3 =	vadd.s32 v4, v3  }
0xb0: {  	s21 =	sadd.s32 $0x1, s21;
	v63 =	vand.u32 $0xF0F0F0F, v10;
	v5 =	vadd.s32 v9, v62;
	v3 =	vadd.s32 v6, v3  }
0xb1: {  	p0 =	sne.s32 s21, $0x4;
	v4 =	vadd.s32 v63, v5;
	v3 =	vadd.s32 $0x78787878, v3  }
.Ltmp3:
0xb2: {  	v4 =	vadd.s32 $0x78787878, v4;
	v3 =	vshrl.u32 v3, $0x7;
	(pc) =	sbr.rel @p0 .LBB2_3-.Ltmp3, $4  }
0xb3: {  	v4 =	vshrl.u32 v4, $0x7;
	v3 =	vand.u32 $0x1010101, v3  }
0xb4: {  	v4 =	vand.u32 $0x1010101, v4;
	v2 =	vadd.s32 v2, v3  }
0xb5: {  	v1 =	vadd.s32 v1, v4;
	[tilespmem:s24+$0x12080] =	vst v2  }
0xb6: {  	s23 =	sadd.s32 $0x10, s23;
	[tilespmem:s24+$0x12100] =	vst v1  }
0xb7: {  	s21 =	sadd.s32 $0x1, s22;
	p0 =	seq.s32 s22, $0x3  }
0xb8: {  	s23 =	sadd.s32 @!p0 s6, s21  }
0xb9: {  	s23 =	sshll.u32 @!p0 s23, $0xD  }
0xba: {  	s23 =	sand.u32 @!p0 $0xFFFE000, s23  }
0xbb: {  	s24 =	simm.s32 @!p0 $0x0;
	s25 =	simm.s32 @!p0 $0x2080;
	s23 =	sadd.s32 @!p0 s2, s23  }
0xbc: {  	[tilespmem:s25], [sflag:$0x2] =	stream.linear.gather @!p0 [hbm4b:s23+s24], $0x8000, $0x38;
	[tilespmem:$0x12380] =	vst v63  }
0xbd: {  	_ =	swait.ge [sflag:s16], $0x8000  }
0xbe: {  	s31 =	sshll.u32 s22, $0x6;
	[sflag:s16] =	ssyncset.done $0x0  }
0xbf: {  	s22 =	simm.s32 $0x0;
	v1 =	vmov s31;
	s23 =	simm.s32 $0x2080;
	[sflag:s16] =	ssyncadd.s32 $0xFFFF8000  }
.LBB2_7:
0xc0: {  	v4 =	vmov s23;
	_ =	sdelay $0x1  }
0xc1: {  	s24 =	sshll.u32 s22, $0x4  }
0xc2: {  	v3 =	vld [tilespmem:s24+$0x12080]  }
0xc3: {  	s25 =	simm.s32 $0x0;
	v2 =	vld [tilespmem:s24+$0x12100]  }
0xc4: {  	v8 =	vld.idx.msk [tilespmem:v4+s25+$0x8F80 ss:$0x1], $0xffff  }
0xc5: {  	v5 =	vld.idx.msk [tilespmem:v4+s25+$0x8B80 ss:$0x1], $0xffff  }
0xc6: {  	v9 =	vld.idx.msk [tilespmem:v4+s25+$0x8F00 ss:$0x1], $0xffff  }
0xc7: {  	v11 =	vld.idx.msk [tilespmem:v4+s25+$0x8380 ss:$0x1], $0xffff  }
0xc8: {  	v6 =	vld.idx.msk [tilespmem:v4+s25+$0x8780 ss:$0x1], $0xffff  }
0xc9: {  	v12 =	vld.idx.msk [tilespmem:v4+s25+$0x8B00 ss:$0x1], $0xffff  }
0xca: {  	v13 =	vld.idx.msk [tilespmem:v4+s25+$0x8E80 ss:$0x1], $0xffff  }
0xcb: {  	v16 =	vld.idx.msk [tilespmem:v4+s25+$0x8300 ss:$0x1], $0xffff  }
0xcc: {  	v7 =	vld.idx.msk [tilespmem:v4+s25+$0x8700 ss:$0x1], $0xffff  }
0xcd: {  	v17 =	vld.idx.msk [tilespmem:v4+s25+$0x8A80 ss:$0x1], $0xffff  }
0xce: {  	v18 =	vld.idx.msk [tilespmem:v4+s25+$0x8E00 ss:$0x1], $0xffff  }
0xcf: {  	v20 =	vld.idx.msk [tilespmem:v4+s25+$0x8280 ss:$0x1], $0xffff  }
0xd0: {  	v10 =	vld.idx.msk [tilespmem:v4+s25+$0x8680 ss:$0x1], $0xffff  }
0xd1: {  	v21 =	vld.idx.msk [tilespmem:v4+s25+$0x8A00 ss:$0x1], $0xffff  }
0xd2: {  	v23 =	vld.idx.msk [tilespmem:v4+s25+$0x8D80 ss:$0x1], $0xffff  }
0xd3: {  	v15 =	vld.idx.msk [tilespmem:v4+s25+$0x8200 ss:$0x1], $0xffff  }
0xd4: {  	v14 =	vld.idx.msk [tilespmem:v4+s25+$0x8600 ss:$0x1], $0xffff  }
0xd5: {  	v24 =	vld.idx.msk [tilespmem:v4+s25+$0x8980 ss:$0x1], $0xffff  }
0xd6: {  	v31 =	vld.idx.msk [tilespmem:v4+s25+$0x8D00 ss:$0x1], $0xffff  }
0xd7: {  	v32 =	vld.idx.msk [tilespmem:v4+s25+$0x8180 ss:$0x1], $0xffff  }
0xd8: {  	v19 =	vld.idx.msk [tilespmem:v4+s25+$0x8580 ss:$0x1], $0xffff  }
0xd9: {  	v33 =	vld.idx.msk [tilespmem:v4+s25+$0x8900 ss:$0x1], $0xffff  }
0xda: {  	v34 =	vld.idx.msk [tilespmem:v4+s25+$0x8C00 ss:$0x1], $0xffff  }
0xdb: {  	v35 =	vld.idx.msk [tilespmem:v4+s25+$0x8C80 ss:$0x1], $0xffff  }
0xdc: {  	v37 =	vld.idx.msk [tilespmem:v4+s25+$0x8100 ss:$0x1], $0xffff  }
0xdd: {  	v22 =	vld.idx.msk [tilespmem:v4+s25+$0x8500 ss:$0x1], $0xffff  }
0xde: {  	v26 =	vld.idx.msk [tilespmem:v4+s25+$0x8800 ss:$0x1], $0xffff  }
0xdf: {  	v27 =	vld.idx.msk [tilespmem:v4+s25+$0x8880 ss:$0x1], $0xffff;
	v8 =	vmin.u32 v8, $0x2000  }
0xe0: {  	v28 =	vld.idx.msk [tilespmem:v4+s25+$0x8000 ss:$0x1], $0xffff;
	v9 =	vmin.u32 v9, $0x2000  }
0xe1: {  	v29 =	vld.idx.msk [tilespmem:v4+s25+$0x8080 ss:$0x1], $0xffff;
	v36 =	vmin.u32 v11, $0x2000  }
0xe2: {  	v25 =	vld.idx.msk [tilespmem:v4+s25+$0x8400 ss:$0x1], $0xffff;
	v12 =	vmin.u32 v12, $0x2000  }
0xe3: {  	v30 =	vld.idx.msk [tilespmem:v4+s25+$0x8480 ss:$0x1], $0xffff;
	v13 =	vmin.u32 v13, $0x2000  }
0xe4: {  	v38 =	vmin.u32 v16, $0x2000;
	v8 =	vld.idx.msk [tilespmem:v8+s4+$0x0], $0xffff  }
0xe5: {  	v17 =	vmin.u32 v17, $0x2000;
	v11 =	vld.idx.msk [tilespmem:v9+s4+$0x0], $0xffff  }
0xe6: {  	v18 =	vmin.u32 v18, $0x2000;
	v9 =	vld.idx.msk [tilespmem:v36+s4+$0x0], $0xffff  }
0xe7: {  	v62 =	vmin.u32 v20, $0x2000;
	v12 =	vld.idx.msk [tilespmem:v12+s4+$0x0], $0xffff  }
0xe8: {  	v21 =	vmin.u32 v21, $0x2000;
	v16 =	vld.idx.msk [tilespmem:v13+s4+$0x0], $0xffff  }
0xe9: {  	v23 =	vmin.u32 v23, $0x2000;
	v13 =	vld.idx.msk [tilespmem:v38+s4+$0x0], $0xffff  }
0xea: {  	v63 =	vmin.u32 v24, $0x2000;
	v17 =	vld.idx.msk [tilespmem:v17+s4+$0x0], $0xffff  }
0xeb: {  	v31 =	vmin.u32 v31, $0x2000;
	v20 =	vld.idx.msk [tilespmem:v18+s4+$0x0], $0xffff  }
0xec: {  	v18 =	vld.idx.msk [tilespmem:v62+s4+$0x0], $0xffff;
	v36 =	vmin.u32 v32, $0x2000  }
0xed: {  	v21 =	vld.idx.msk [tilespmem:v21+s4+$0x0], $0xffff;
	v32 =	vmin.u32 v33, $0x2000  }
0xee: {  	v24 =	vld.idx.msk [tilespmem:v23+s4+$0x0], $0xffff;
	v33 =	vmin.u32 v34, $0x2000  }
0xef: {  	v23 =	vld.idx.msk [tilespmem:v63+s4+$0x0], $0xffff;
	v34 =	vmin.u32 v35, $0x2000  }
0xf0: {  	s25 =	simm.s32 $0x4000;
	v35 =	vmin.u32 v37, $0x2000;
	v31 =	vld.idx.msk [tilespmem:v31+s4+$0x0], $0xffff  }
.LBB2_8:
0xf1: {  	p1 =	sne.s32 s25, $0x1C000;
	v36 =	vld.idx.msk [tilespmem:v36+s4+$0x0], $0xffff;
	v26 =	vmin.u32 v26, $0x2000  }
0xf2: {  	v27 =	vmin.u32 v27, $0x2000;
	v32 =	vld.idx.msk [tilespmem:v32+s4+$0x0], $0xffff  }
0xf3: {  	v28 =	vmin.u32 v28, $0x2000;
	v33 =	vld.idx.msk [tilespmem:v33+s4+$0x0], $0xffff  }
0xf4: {  	v29 =	vmin.u32 v29, $0x2000;
	v34 =	vld.idx.msk [tilespmem:v34+s4+$0x0], $0xffff  }
0xf5: {  	v25 =	vmin.u32 v25, $0x2000;
	v35 =	vld.idx.msk [tilespmem:v35+s4+$0x0], $0xffff  }
0xf6: {  	v30 =	vmin.u32 v30, $0x2000;
	v26 =	vld.idx.msk [tilespmem:v26+s4+$0x0], $0xffff  }
0xf7: {  	v22 =	vmin.u32 v22, $0x2000;
	v27 =	vld.idx.msk [tilespmem:v27+s4+$0x0], $0xffff  }
0xf8: {  	v19 =	vmin.u32 v19, $0x2000;
	v28 =	vld.idx.msk [tilespmem:v28+s4+$0x0], $0xffff  }
0xf9: {  	v15 =	vmin.u32 v15, $0x2000;
	v29 =	vld.idx.msk [tilespmem:v29+s4+$0x0], $0xffff  }
0xfa: {  	v14 =	vmin.u32 v14, $0x2000;
	v25 =	vld.idx.msk [tilespmem:v25+s4+$0x0], $0xffff  }
0xfb: {  	v10 =	vmin.u32 v10, $0x2000;
	v30 =	vld.idx.msk [tilespmem:v30+s4+$0x0], $0xffff  }
0xfc: {  	v7 =	vmin.u32 v7, $0x2000;
	v22 =	vld.idx.msk [tilespmem:v22+s4+$0x0], $0xffff  }
0xfd: {  	v6 =	vmin.u32 v6, $0x2000;
	v19 =	vld.idx.msk [tilespmem:v19+s4+$0x0], $0xffff  }
0xfe: {  	v5 =	vmin.u32 v5, $0x2000;
	v15 =	vld.idx.msk [tilespmem:v15+s4+$0x0], $0xffff  }
0xff: {  	v14 =	vld.idx.msk [tilespmem:v14+s4+$0x0], $0xffff  }
0x100: {  	v26 =	vadd.s32 v26, v27;
	v27 =	vadd.s32 v33, v34;
	v28 =	vadd.s32 v28, v29;
	v10 =	vld.idx.msk [tilespmem:v10+s4+$0x0], $0xffff  }
0x101: {  	v26 =	vadd.s32 v32, v26;
	v27 =	vadd.s32 v31, v27;
	v25 =	vadd.s32 v25, v30;
	v7 =	vld.idx.msk [tilespmem:v7+s4+$0x0], $0xffff  }
0x102: {  	v28 =	vadd.s32 v35, v28;
	v22 =	vadd.s32 v22, v25;
	v25 =	vld.idx.msk [tilespmem:v6+s4+$0x0], $0xffff;
	v6 =	vadd.s32 v24, v27  }
0x103: {  	s26 =	sshra.s32 s25, $0x2;
	v24 =	vadd.s32 v36, v28;
	v19 =	vadd.s32 v19, v22;
	v22 =	vadd.s32 v23, v26;
	v23 =	vld.idx.msk [tilespmem:v5+s4+$0x0], $0xffff  }
0x104: {  	v15 =	vadd.s32 v15, v24;
	v21 =	vadd.s32 v21, v22;
	v6 =	vadd.s32 v20, v6;
	v28 =	vld.idx.msk [tilespmem:v4+s26+$0x8F80 ss:$0x1], $0xffff  }
0x105: {  	v14 =	vadd.s32 v14, v19;
	v17 =	vadd.s32 v17, v21;
	v6 =	vadd.s32 v16, v6;
	v5 =	vld.idx.msk [tilespmem:v4+s26+$0x8B80 ss:$0x1], $0xffff  }
0x106: {  	v15 =	vadd.s32 v18, v15;
	v10 =	vadd.s32 v10, v14;
	v11 =	vadd.s32 v11, v6;
	v16 =	vld.idx.msk [tilespmem:v4+s26+$0x8F00 ss:$0x1], $0xffff  }
0x107: {  	v13 =	vadd.s32 v13, v15;
	v7 =	vadd.s32 v7, v10;
	v10 =	vadd.s32 v12, v17;
	v18 =	vld.idx.msk [tilespmem:v4+s26+$0x8380 ss:$0x1], $0xffff  }
0x108: {  	v9 =	vadd.s32 v9, v13;
	v8 =	vadd.s32 v8, v11;
	v12 =	vadd.s32 v25, v7;
	v6 =	vld.idx.msk [tilespmem:v4+s26+$0x8780 ss:$0x1], $0xffff  }
0x109: {  	v7 =	vshrl.u32 v9, $0x4;
	v13 =	vshrl.u32 v12, $0x4;
	v10 =	vadd.s32 v23, v10;
	v11 =	vld.idx.msk [tilespmem:v4+s26+$0x8B00 ss:$0x1], $0xffff  }
0x10a: {  	v7 =	vand.u32 $0xF0F0F0F, v7;
	v13 =	vand.u32 $0xF0F0F0F, v13;
	v14 =	vshrl.u32 v10, $0x4;
	v17 =	vld.idx.msk [tilespmem:v4+s26+$0x8E80 ss:$0x1], $0xffff  }
0x10b: {  	v15 =	vshrl.u32 v8, $0x4;
	v14 =	vand.u32 $0xF0F0F0F, v14;
	v13 =	vadd.s32 v13, v7;
	v20 =	vld.idx.msk [tilespmem:v4+s26+$0x8300 ss:$0x1], $0xffff  }
0x10c: {  	v9 =	vand.u32 $0xF0F0F0F, v9;
	v15 =	vand.u32 $0xF0F0F0F, v15;
	v13 =	vadd.s32 v14, v13;
	v7 =	vld.idx.msk [tilespmem:v4+s26+$0x8700 ss:$0x1], $0xffff  }
0x10d: {  	v12 =	vand.u32 $0xF0F0F0F, v12;
	v10 =	vand.u32 $0xF0F0F0F, v10;
	v13 =	vadd.s32 v15, v13;
	v21 =	vld.idx.msk [tilespmem:v4+s26+$0x8A80 ss:$0x1], $0xffff  }
0x10e: {  	v8 =	vand.u32 $0xF0F0F0F, v8;
	v9 =	vadd.s32 v12, v9;
	v12 =	vadd.s32 $0x78787878, v13;
	v23 =	vld.idx.msk [tilespmem:v4+s26+$0x8E00 ss:$0x1], $0xffff  }
0x10f: {  	v9 =	vadd.s32 v10, v9;
	v12 =	vshrl.u32 v12, $0x7;
	v13 =	vld.idx.msk [tilespmem:v4+s26+$0x8280 ss:$0x1], $0xffff  }
0x110: {  	v8 =	vadd.s32 v8, v9;
	v9 =	vand.u32 $0x1010101, v12;
	v10 =	vld.idx.msk [tilespmem:v4+s26+$0x8680 ss:$0x1], $0xffff  }
0x111: {  	v8 =	vadd.s32 $0x78787878, v8;
	v2 =	vadd.s32 v2, v9;
	v24 =	vld.idx.msk [tilespmem:v4+s26+$0x8A00 ss:$0x1], $0xffff  }
0x112: {  	v8 =	vshrl.u32 v8, $0x7;
	v31 =	vld.idx.msk [tilespmem:v4+s26+$0x8D80 ss:$0x1], $0xffff  }
0x113: {  	v8 =	vand.u32 $0x1010101, v8;
	v15 =	vld.idx.msk [tilespmem:v4+s26+$0x8200 ss:$0x1], $0xffff  }
0x114: {  	v3 =	vadd.s32 v3, v8;
	v14 =	vld.idx.msk [tilespmem:v4+s26+$0x8600 ss:$0x1], $0xffff  }
0x115: {  	v32 =	vld.idx.msk [tilespmem:v4+s26+$0x8980 ss:$0x1], $0xffff  }
0x116: {  	v33 =	vld.idx.msk [tilespmem:v4+s26+$0x8D00 ss:$0x1], $0xffff  }
0x117: {  	v34 =	vld.idx.msk [tilespmem:v4+s26+$0x8180 ss:$0x1], $0xffff  }
0x118: {  	v19 =	vld.idx.msk [tilespmem:v4+s26+$0x8580 ss:$0x1], $0xffff  }
0x119: {  	v35 =	vld.idx.msk [tilespmem:v4+s26+$0x8900 ss:$0x1], $0xffff  }
0x11a: {  	v37 =	vld.idx.msk [tilespmem:v4+s26+$0x8C00 ss:$0x1], $0xffff  }
0x11b: {  	v38 =	vld.idx.msk [tilespmem:v4+s26+$0x8C80 ss:$0x1], $0xffff  }
0x11c: {  	v39 =	vld.idx.msk [tilespmem:v4+s26+$0x8100 ss:$0x1], $0xffff  }
0x11d: {  	v22 =	vld.idx.msk [tilespmem:v4+s26+$0x8500 ss:$0x1], $0xffff  }
0x11e: {  	v26 =	vld.idx.msk [tilespmem:v4+s26+$0x8800 ss:$0x1], $0xffff  }
0x11f: {  	v8 =	vmin.u32 v28, $0x2000;
	v27 =	vld.idx.msk [tilespmem:v4+s26+$0x8880 ss:$0x1], $0xffff  }
0x120: {  	v9 =	vmin.u32 v16, $0x2000;
	v28 =	vld.idx.msk [tilespmem:v4+s26+$0x8000 ss:$0x1], $0xffff  }
0x121: {  	v12 =	vmin.u32 v18, $0x2000;
	v29 =	vld.idx.msk [tilespmem:v4+s26+$0x8080 ss:$0x1], $0xffff  }
0x122: {  	v16 =	vmin.u32 v11, $0x2000;
	v25 =	vld.idx.msk [tilespmem:v4+s26+$0x8400 ss:$0x1], $0xffff  }
0x123: {  	v17 =	vmin.u32 v17, $0x2000;
	v30 =	vld.idx.msk [tilespmem:v4+s26+$0x8480 ss:$0x1], $0xffff  }
0x124: {  	v18 =	vmin.u32 v20, $0x2000;
	v8 =	vld.idx.msk [tilespmem:v8+s4+$0x0], $0xffff  }
0x125: {  	v20 =	vmin.u32 v21, $0x2000;
	v11 =	vld.idx.msk [tilespmem:v9+s4+$0x0], $0xffff  }
0x126: {  	v21 =	vmin.u32 v23, $0x2000;
	v9 =	vld.idx.msk [tilespmem:v12+s4+$0x0], $0xffff  }
0x127: {  	v23 =	vmin.u32 v13, $0x2000;
	v12 =	vld.idx.msk [tilespmem:v16+s4+$0x0], $0xffff  }
0x128: {  	v24 =	vmin.u32 v24, $0x2000;
	v16 =	vld.idx.msk [tilespmem:v17+s4+$0x0], $0xffff  }
0x129: {  	v31 =	vmin.u32 v31, $0x2000;
	v13 =	vld.idx.msk [tilespmem:v18+s4+$0x0], $0xffff  }
0x12a: {  	v40 =	vmin.u32 v32, $0x2000;
	v17 =	vld.idx.msk [tilespmem:v20+s4+$0x0], $0xffff  }
0x12b: {  	v41 =	vmin.u32 v33, $0x2000;
	v20 =	vld.idx.msk [tilespmem:v21+s4+$0x0], $0xffff  }
.Ltmp4:
0x12c: {  	v36 =	vmin.u32 v34, $0x2000;
	v18 =	vld.idx.msk [tilespmem:v23+s4+$0x0], $0xffff;
	(pc) =	sbr.rel @p1 .LBB2_8-.Ltmp4, $4  }
0x12d: {  	v32 =	vmin.u32 v35, $0x2000;
	v21 =	vld.idx.msk [tilespmem:v24+s4+$0x0], $0xffff  }
0x12e: {  	v33 =	vmin.u32 v37, $0x2000;
	v24 =	vld.idx.msk [tilespmem:v31+s4+$0x0], $0xffff  }
0x12f: {  	v34 =	vmin.u32 v38, $0x2000;
	v23 =	vld.idx.msk [tilespmem:v40+s4+$0x0], $0xffff  }
0x130: {  	s25 =	sadd.s32 $0x4000, s25;
	v35 =	vmin.u32 v39, $0x2000;
	v31 =	vld.idx.msk [tilespmem:v41+s4+$0x0], $0xffff  }
0x131: {  	_ =	sdelay $0x3  }
0x132: {  	v4 =	vld.idx.msk [tilespmem:v36+s4+$0x0], $0xffff;
	v26 =	vmin.u32 v26, $0x2000  }
0x133: {  	v27 =	vmin.u32 v27, $0x2000;
	v32 =	vld.idx.msk [tilespmem:v32+s4+$0x0], $0xffff  }
0x134: {  	v28 =	vmin.u32 v28, $0x2000;
	v33 =	vld.idx.msk [tilespmem:v33+s4+$0x0], $0xffff  }
0x135: {  	v29 =	vmin.u32 v29, $0x2000;
	v34 =	vld.idx.msk [tilespmem:v34+s4+$0x0], $0xffff  }
0x136: {  	v35 =	vld.idx.msk [tilespmem:v35+s4+$0x0], $0xffff;
	v25 =	vmin.u32 v25, $0x2000  }
0x137: {  	v30 =	vmin.u32 v30, $0x2000;
	v26 =	vld.idx.msk [tilespmem:v26+s4+$0x0], $0xffff  }
0x138: {  	v22 =	vmin.u32 v22, $0x2000;
	v27 =	vld.idx.msk [tilespmem:v27+s4+$0x0], $0xffff  }
0x139: {  	v19 =	vmin.u32 v19, $0x2000;
	v28 =	vld.idx.msk [tilespmem:v28+s4+$0x0], $0xffff  }
0x13a: {  	v15 =	vmin.u32 v15, $0x2000;
	v29 =	vld.idx.msk [tilespmem:v29+s4+$0x0], $0xffff  }
0x13b: {  	v14 =	vmin.u32 v14, $0x2000;
	v25 =	vld.idx.msk [tilespmem:v25+s4+$0x0], $0xffff  }
0x13c: {  	v10 =	vmin.u32 v10, $0x2000;
	v30 =	vld.idx.msk [tilespmem:v30+s4+$0x0], $0xffff  }
0x13d: {  	v7 =	vmin.u32 v7, $0x2000;
	v22 =	vld.idx.msk [tilespmem:v22+s4+$0x0], $0xffff  }
0x13e: {  	v6 =	vmin.u32 v6, $0x2000;
	v19 =	vld.idx.msk [tilespmem:v19+s4+$0x0], $0xffff  }
0x13f: {  	v5 =	vmin.u32 v5, $0x2000;
	v15 =	vld.idx.msk [tilespmem:v15+s4+$0x0], $0xffff  }
0x140: {  	v14 =	vld.idx.msk [tilespmem:v14+s4+$0x0], $0xffff;
	v55 =	vadd.s32 v33, v34;
	v28 =	vadd.s32 v28, v29;
	v26 =	vadd.s32 v26, v27  }
0x141: {  	v10 =	vld.idx.msk [tilespmem:v10+s4+$0x0], $0xffff;
	v25 =	vadd.s32 v25, v30;
	v27 =	vadd.s32 v31, v55;
	v26 =	vadd.s32 v32, v26  }
0x142: {  	v7 =	vld.idx.msk [tilespmem:v7+s4+$0x0], $0xffff;
	v28 =	vadd.s32 v35, v28;
	v22 =	vadd.s32 v22, v25;
	v24 =	vadd.s32 v24, v27  }
0x143: {  	v6 =	vld.idx.msk [tilespmem:v6+s4+$0x0], $0xffff;
	v4 =	vadd.s32 v4, v28;
	v19 =	vadd.s32 v19, v22;
	v56 =	vadd.s32 v23, v26  }
0x144: {  	v5 =	vld.idx.msk [tilespmem:v5+s4+$0x0], $0xffff;
	v20 =	vadd.s32 v20, v24;
	v4 =	vadd.s32 v15, v4;
	v57 =	vadd.s32 v21, v56  }
0x145: {  	v14 =	vadd.s32 v14, v19;
	v16 =	vadd.s32 v16, v20;
	v15 =	vadd.s32 v17, v57  }
0x146: {  	v4 =	vadd.s32 v18, v4;
	v10 =	vadd.s32 v10, v14;
	v11 =	vadd.s32 v11, v16  }
0x147: {  	v4 =	vadd.s32 v13, v4;
	v7 =	vadd.s32 v7, v10;
	v58 =	vadd.s32 v12, v15  }
0x148: {  	v59 =	vadd.s32 v8, v11;
	v4 =	vadd.s32 v9, v4;
	v6 =	vadd.s32 v6, v7  }
0x149: {  	v5 =	vadd.s32 v5, v58;
	v11 =	vshrl.u32 v59, $0x4;
	v7 =	vand.u32 $0xF0F0F0F, v59  }
0x14a: {  	v60 =	vshrl.u32 v4, $0x4;
	v61 =	vshrl.u32 v6, $0x4;
	v10 =	vshrl.u32 v5, $0x4  }
0x14b: {  	v4 =	vand.u32 $0xF0F0F0F, v4;
	v6 =	vand.u32 $0xF0F0F0F, v6;
	v5 =	vand.u32 $0xF0F0F0F, v5  }
0x14c: {  	v8 =	vand.u32 $0xF0F0F0F, v60;
	v9 =	vand.u32 $0xF0F0F0F, v61;
	v4 =	vadd.s32 v6, v4  }
0x14d: {  	v10 =	vand.u32 $0xF0F0F0F, v10;
	v62 =	vadd.s32 v9, v8;
	v4 =	vadd.s32 v5, v4  }
0x14e: {  	v63 =	vand.u32 $0xF0F0F0F, v11;
	v6 =	vadd.s32 v10, v62;
	v4 =	vadd.s32 v7, v4  }
0x14f: {  	v5 =	vadd.s32 v63, v6;
	v4 =	vadd.s32 $0x78787878, v4  }
0x150: {  	v5 =	vadd.s32 $0x78787878, v5;
	v4 =	vshrl.u32 v4, $0x7  }
0x151: {  	s22 =	sadd.s32 $0x1, s22;
	v5 =	vshrl.u32 v5, $0x7;
	v4 =	vand.u32 $0x1010101, v4  }
0x152: {  	p1 =	sne.s32 s22, $0x4;
	v5 =	vand.u32 $0x1010101, v5;
	v3 =	vadd.s32 v3, v4  }
.Ltmp5:
0x153: {  	v2 =	vadd.s32 v2, v5;
	v3 =	vadd.s32 $0x7C7C7C7C, v3;
	(pc) =	sbr.rel @p1 .LBB2_7-.Ltmp5, $4  }
0x154: {  	v3 =	vshrl.u32 v3, $0x7;
	v2 =	vadd.s32 $0x7C7C7C7C, v2  }
0x155: {  	v3 =	vand.u32 $0x1010101, v3;
	v2 =	vshrl.u32 v2, $0x7  }
0x156: {  	[tilespmem:v1+s24+$0x12180 ss:$0x1] =	vst.idx.msk $0xffff, v3;
	v2 =	vand.u32 $0x1010101, v2  }
0x157: {  	s23 =	sadd.s32 $0x10, s23;
	[tilespmem:v1+s24+$0x12280 ss:$0x1] =	vst.idx.msk $0xffff, v2  }
.Ltmp6:
0x158: {  	(pc) =	sbr.rel @p0 .LBB2_12-.Ltmp6, $1  }
0x159: {  	_ =	sdelay $0x3  }
0x15a: {  	s22 =	sadd.s32 s6, s21  }
.Ltmp7:
0x15b: {  	s22 =	sshll.u32 s22, $0xD;
	(pc) =	sbr.rel .LBB2_2-.Ltmp7, $4  }
0x15c: {  	s22 =	sand.u32 $0xFFFE000, s22  }
0x15d: {  	s22 =	sadd.s32 s22, s5  }
0x15e: {  	[tilespmem:s13], [sflag:$0x3] =	stream.linear.gather [hbm4b:s22+s4], $0x8000, $0x38;
	[tilespmem:$0x12380] =	vst v63  }
0x15f: {  	s22 =	smov.u32 s21  }
.LBB2_13:
0x160: {  	_ =	sfence.sel $0x180000  }
0x161: {  	[bflag:$0x0] =	sbarrier.arrive $0xFFFF  }
0x162: {  	p0 =	sne.s32 s0, $0x0;
	_ =	strace $0x90000047  }
0x163: {  	s0 =	sadd.s32 @!p0 $0x100000, s3;
	[bflag:$0x2] =	sbarrier.arrive $0xFFFF  }
0x164: {  	[sflag:s0] =	ssyncadd.tile.s32 @!p0 $0x1;
	_ =	shalt  }
.Lfunc_end2:
_tile_overlayer_lowered:
.L_overlay_start_2:
0x165: {  	(tag) =	ssettag $0x2  }
0x166: {  	s0 =	rddreg [dreg:$0x0];
	s2 =	stileid.u32  }
0x167: {  	s1 =	rddreg [dreg:$0x1];
	p0 =	sne.s32 s2, $0x0  }
0x168: {  	s3 =	rddreg [dreg:$0x2];
	[bflag:$0x3] =	sbarrier.arrive $0xFFFF;
	s2 =	simm.s32 @!p0 $0x1C04  }
0x169: {  	[timem:s3], [sflag:s2] =	dma.local @!p0 [hbm:s0], s1  }
0x16a: {  	s0 =	simm.s32 @!p0 $0x4  }
0x16b: {  	_ =	swait.ge @!p0 [sflag:s0], s1  }
0x16c: {  	s1 =	ssub.s32 @!p0 $0x0, s1;
	[sflag:s0] =	ssyncset.done @!p0 $0x0  }
0x16d: {  	[sflag:s0] =	ssyncadd.s32 @!p0 s1  }
0x16e: {  	[bflag:$0x3] =	sbarrier.arrive $0xFFFF  }
0x16f: {  	_ =	shalt  }

</sc_bundles>
